<compile_context>
chip_gen: v7x
topology: tpu7x:2x2x1
jax: 0.10.2.dev20260603
libtpu: 0.0.44.dev20260713+nightly
codegen_flags: <defaults>
</compile_context>

<pallas_src>
import jax
import jax.numpy as jnp
from jax import lax
from jax.experimental import pallas as pl
from jax.experimental.pallas import tpu as pltpu
from jax.experimental.pallas import tpu_sc as plsc

N = 10000
NP = 10240
E = 320000
D = 128
H1 = 128
H2 = 64

NC = 2
NS = 16
CB = 80
ROWS_PER_TEC = NP // NS
PER_TEC = E // NC // NS
N_CHUNKS = PER_TEC // CB



def _mm1_body(x_ref, w_ref, o_ref):
    o_ref[...] = jnp.dot(x_ref[...], w_ref[...],
                         preferred_element_type=jnp.float32)


def _mm1(x, W1):
    R = 1000
    return pl.pallas_call(
        _mm1_body,
        grid=(N // R,),
        in_specs=[
            pl.BlockSpec((R, D), lambda i: (i, 0)),
            pl.BlockSpec((D, H1), lambda i: (0, 0)),
        ],
        out_specs=pl.BlockSpec((R, H1), lambda i: (i, 0)),
        out_shape=jax.ShapeDtypeStruct((NP, H1), jnp.float32),
    )(x, W1)


def _mm2_body(p_ref, w2_ref, o_ref):
    a = jnp.maximum(p_ref[0] + p_ref[1], 0.0)
    h2 = jnp.dot(a, w2_ref[...], preferred_element_type=jnp.float32)
    o_ref[...] = jnp.concatenate([h2, jnp.zeros_like(h2)], axis=1)


def _mm2(parts, W2):
    R = 1000
    return pl.pallas_call(
        _mm2_body,
        grid=(N // R,),
        in_specs=[
            pl.BlockSpec((2, R, H1), lambda i: (0, i, 0)),
            pl.BlockSpec((H1, H2), lambda i: (0, 0)),
        ],
        out_specs=pl.BlockSpec((R, H1), lambda i: (i, 0)),
        out_shape=jax.ShapeDtypeStruct((NP, H1), jnp.float32),
    )(parts, W2)


def _softmax_body(p_ref, o_ref):
    s = p_ref[0, :, :H2] + p_ref[1, :, :H2]
    m = jnp.max(s, axis=-1, keepdims=True)
    e = jnp.exp(s - m)
    o_ref[...] = e / jnp.sum(e, axis=-1, keepdims=True)


def _softmax(parts):
    R = 1000
    return pl.pallas_call(
        _softmax_body,
        grid=(N // R,),
        in_specs=[pl.BlockSpec((2, R, H1), lambda i: (0, i, 0))],
        out_specs=pl.BlockSpec((R, H2), lambda i: (i, 0)),
        out_shape=jax.ShapeDtypeStruct((N, H2), jnp.float32),
    )(parts)



def _sc_body(table_hbm, src_hbm, dst_hbm, w_hbm, zeros_hbm, out_hbm,
             agg_sh, sidx, didx, wbuf, rows, gsem):
    c = lax.axis_index("c")
    s = lax.axis_index("s")
    rsl = pl.ds(s * ROWS_PER_TEC, ROWS_PER_TEC)
    pltpu.sync_copy(zeros_hbm.at[rsl], agg_sh.at[rsl])
    plsc.subcore_barrier()

    base0 = c * (E // NC) + s * PER_TEC

    def chunk(i, carry):
        b = base0 + i * CB
        pltpu.sync_copy(src_hbm.at[pl.ds(b, CB)], sidx.at[0])
        pltpu.sync_copy(dst_hbm.at[pl.ds(b, CB)], didx.at[0])
        pltpu.sync_copy(w_hbm.at[pl.ds(b, CB)], wbuf)
        pltpu.async_copy(table_hbm.at[sidx.at[0]], rows, gsem).wait()

        def scale(e, c2):
            we = wbuf[e, pl.ds(0, 16)]
            for j in range(H1 // 16):
                sl = pl.ds(j * 16, 16)
                rows[e, sl] = rows[e, sl] * we
            return c2

        lax.fori_loop(0, CB, scale, 0)
        pltpu.sync_copy(rows, agg_sh.at[didx.at[0]], add=True)
        return carry

    lax.fori_loop(0, N_CHUNKS, chunk, 0)
    plsc.subcore_barrier()
    pltpu.sync_copy(agg_sh.at[rsl], out_hbm.at[c, rsl])


_sc_pass = pl.kernel(
    _sc_body,
    out_type=jax.ShapeDtypeStruct((2, NP, H1), jnp.float32),
    mesh=plsc.VectorSubcoreMesh(core_axis_name="c", subcore_axis_name="s",
                                num_cores=NC, num_subcores=NS),
    scratch_types=[
        pltpu.VMEM_SHARED((NP, H1), jnp.float32),
        pltpu.VMEM((1, CB), jnp.int32),
        pltpu.VMEM((1, CB), jnp.int32),
        pltpu.VMEM((CB, H1), jnp.float32),
        pltpu.VMEM((CB, H1), jnp.float32),
        pltpu.SemaphoreType.DMA,
    ],
)


@jax.jit
def kernel(x, edge_index, edge_weight, W1, W2):
    src = edge_index[0].astype(jnp.int32)
    dst = edge_index[1].astype(jnp.int32)
    w = jnp.broadcast_to(edge_weight.astype(jnp.float32)[:, None], (E, H1))
    zeros = jnp.zeros((NP, H1), jnp.float32)

    h = _mm1(x, W1)
    p1 = _sc_pass(h, src, dst, w, zeros)
    h2 = _mm2(p1, W2)
    p2 = _sc_pass(h2, src, dst, w, zeros)
    return _softmax(p2)

# --- scband reference (transcript-rebuilt; emitter-appended) ---
"""Pipeline reference for scband-gcn-30279519437137 (READ-ONLY COPY).

The authoritative reference and input builder live on the scoring server;
editing this copy changes nothing except your own understanding.
"""

import jax, jax.numpy as jnp
import numpy as np

N_NODES = 10000
N_EDGES = 320000
D_FEAT = 128
HIDDEN1 = 128
HIDDEN2 = 64


def setup_inputs(seed: int = 0) -> dict:
    key = jax.random.key(seed)
    k1, k2, k3, k4, k5 = jax.random.split(key, 5)
    x = jax.random.normal(k1, (N_NODES, D_FEAT), dtype=jnp.float32)
    edge_index = jax.random.randint(k2, (2, N_EDGES), 0, N_NODES, dtype=jnp.int64)
    edge_weight = jax.random.uniform(k3, (N_EDGES,), dtype=jnp.float32)
    W1 = jax.random.normal(k4, (D_FEAT, HIDDEN1), dtype=jnp.float32) * (1.0 / np.sqrt(D_FEAT))
    W2 = jax.random.normal(k5, (HIDDEN1, HIDDEN2), dtype=jnp.float32) * (1.0 / np.sqrt(HIDDEN1))
    return {"x": x, "edge_index": edge_index, "edge_weight": edge_weight, "W1": W1, "W2": W2}


def reference(x, edge_index, edge_weight, W1, W2):
    # Two-layer GCN: hidden1 = relu(A @ (X W1)); hidden2 = A @ (H1 W2); out = softmax(hidden2)
    src = edge_index[0]
    dst = edge_index[1]
    n = x.shape[0]
    # Layer 1: GraphConvolutionSparse with relu activation
    h = x @ W1
    msg = edge_weight[:, None] * jnp.take(h, src, axis=0)
    agg = jax.ops.segment_sum(msg, dst, num_segments=n)
    h1 = jax.nn.relu(agg)
    # Layer 2: GraphConvolution with identity activation
    h2 = h1 @ W2
    msg2 = edge_weight[:, None] * jnp.take(h2, src, axis=0)
    agg2 = jax.ops.segment_sum(msg2, dst, num_segments=n)
    # Output softmax
    out = jax.nn.softmax(agg2, axis=-1)
    return out

if __name__ == "__main__":
    import jax
    _d = setup_inputs()
    print(jax.jit(kernel)(*tuple(_d.values())))

</pallas_src>

<mosaic_0001>
#map = affine_map<(d0, d1) -> (0, 0)>
#map1 = affine_map<(d0, d1) -> (0)>
#map2 = affine_map<(d0, d1) -> (0, 0, 0)>
module attributes {stable_mosaic.version = 14 : i64} {
  func.func @_sc_body(%arg0: i32, %arg1: i32, %arg2: memref<10240x128xf32, #tpu.memory_space<hbm>>, %arg3: memref<320000xi32, #tpu.memory_space<hbm>>, %arg4: memref<320000xi32, #tpu.memory_space<hbm>>, %arg5: memref<320000x128xf32, #tpu.memory_space<hbm>>, %arg6: memref<10240x128xf32, #tpu.memory_space<hbm>>, %arg7: memref<2x10240x128xf32, #tpu.memory_space<hbm>>, %arg8: memref<10240x128xf32, #tpu.memory_space<vmem_shared>>, %arg9: memref<1x80xi32, #tpu.memory_space<vmem>>, %arg10: memref<1x80xi32, #tpu.memory_space<vmem>>, %arg11: memref<80x128xf32, #tpu.memory_space<vmem>>, %arg12: memref<80x128xf32, #tpu.memory_space<vmem>>, %arg13: memref<!tpu.dma_semaphore, #tpu.memory_space<semaphore_mem>>) attributes {dimension_semantics = [#tpu.dimension_semantics<core_parallel>, #tpu.dimension_semantics<subcore_parallel>], iteration_bounds = array<i64: 2, 16>, scalar_prefetch = 0 : i64, scratch_operands = 6 : i64, tpu.core_type = #tpu.core_type<sc_vector_subcore>, window_params = [{transform_indices = #map}, {transform_indices = #map1}, {transform_indices = #map1}, {transform_indices = #map}, {transform_indices = #map}, {transform_indices = #map2}]} {
    %mul3A = arith.constant 640 : i32
    %mul3A_0 = arith.muli %arg1, %mul3A : i32
    "tpu.region"() ({
      %run_scoped3A = tpu.sem_alloc : memref<!tpu.dma_semaphore, #tpu.memory_space<semaphore_mem>>
      %dma_start3A = arith.constant 0 : i32
      %dma_start3A_11 = tpu.memref_slice %arg8[%mul3A_0, %dma_start3A] : memref<10240x128xf32, #tpu.memory_space<vmem_shared>> -> memref<640x128xf32, #tpu.memory_space<vmem_shared>>
      %dma_start3A_12 = arith.constant 0 : i32
      %dma_start3A_13 = tpu.memref_slice %arg6[%mul3A_0, %dma_start3A_12] : memref<10240x128xf32, #tpu.memory_space<hbm>> -> memref<640x128xf32, #tpu.memory_space<hbm>>
      tpu.enqueue_dma source(%dma_start3A_13 : memref<640x128xf32, #tpu.memory_space<hbm>>) target(%dma_start3A_11 : memref<640x128xf32, #tpu.memory_space<vmem_shared>>) target_semaphore(%run_scoped3A : memref<!tpu.dma_semaphore, #tpu.memory_space<semaphore_mem>>)
      %dma_wait3A = arith.constant 0 : i32
      %dma_wait3A_14 = tpu.memref_slice %arg8[%mul3A_0, %dma_wait3A] : memref<10240x128xf32, #tpu.memory_space<vmem_shared>> -> memref<640x128xf32, #tpu.memory_space<vmem_shared>>
      %dma_wait3A_15 = arith.constant 0 : i32
      %dma_wait3A_16 = tpu.memref_slice %arg6[%mul3A_0, %dma_wait3A_15] : memref<10240x128xf32, #tpu.memory_space<hbm>> -> memref<640x128xf32, #tpu.memory_space<hbm>>
      tpu.wait_dma2 semaphore(%run_scoped3A : memref<!tpu.dma_semaphore, #tpu.memory_space<semaphore_mem>>) src(%dma_wait3A_16 : memref<640x128xf32, #tpu.memory_space<hbm>>) dst(%dma_wait3A_14 : memref<640x128xf32, #tpu.memory_space<vmem_shared>>)
      tpu.yield
    }) : () -> ()
    %barrier3A = arith.constant 0 : index
    tpu.barrier barrier_id(%barrier3A)
    %mul3A_1 = arith.constant 160000 : i32
    %mul3A_2 = arith.muli %arg0, %mul3A_1 : i32
    %mul3A_3 = arith.constant 10000 : i32
    %mul3A_4 = arith.muli %arg1, %mul3A_3 : i32
    %add3A = arith.addi %mul3A_2, %mul3A_4 : i32
    %scan3A = arith.constant 0 : i32
    %scan3A_5 = arith.constant 0 : i32
    %scan3A_6 = arith.constant 125 : i32
    %scan3A_7 = arith.addi %scan3A_5, %scan3A_6 : i32
    %scan3A_8 = arith.constant 1 : i32
    scf.for %scan3A_11 = %scan3A_5 to %scan3A_7 step %scan3A_8  : i32 {
      %mul3A_12 = arith.constant 80 : i32
      %mul3A_13 = arith.muli %scan3A_11, %mul3A_12 : i32
      %add3A_14 = arith.addi %add3A, %mul3A_13 : i32
      %run_scoped3A = arith.constant 0 : i32
      "tpu.region"() ({
        %run_scoped3A_35 = tpu.sem_alloc : memref<!tpu.dma_semaphore, #tpu.memory_space<semaphore_mem>>
        %dma_start3A_36 = arith.constant 0 : i32
        %dma_start3A_37 = tpu.memref_slice %arg9[%run_scoped3A, %dma_start3A_36] : memref<1x80xi32, #tpu.memory_space<vmem>> -> memref<1x80xi32, #tpu.memory_space<vmem>>
        %dma_start3A_38 = tpu.memref_squeeze %dma_start3A_37 : memref<1x80xi32, #tpu.memory_space<vmem>> -> memref<80xi32, #tpu.memory_space<vmem>>
        %dma_start3A_39 = tpu.memref_slice %arg3[%add3A_14] : memref<320000xi32, #tpu.memory_space<hbm>> -> memref<80xi32, #tpu.memory_space<hbm>>
        %dma_start3A_40 = arith.constant 0 : i32
        %dma_start3A_41 = tpu.memref_slice %arg9[%run_scoped3A, %dma_start3A_40] : memref<1x80xi32, #tpu.memory_space<vmem>> -> memref<1x80xi32, #tpu.memory_space<vmem>>
        %dma_start3A_42 = tpu.memref_squeeze %dma_start3A_41 : memref<1x80xi32, #tpu.memory_space<vmem>> -> memref<80xi32, #tpu.memory_space<vmem>>
        %dma_start3A_43 = tpu.memref_slice %arg3[%add3A_14] : memref<320000xi32, #tpu.memory_space<hbm>> -> memref<80xi32, #tpu.memory_space<hbm>>
        tpu.enqueue_dma source(%dma_start3A_43 : memref<80xi32, #tpu.memory_space<hbm>>) target(%dma_start3A_42 : memref<80xi32, #tpu.memory_space<vmem>>) target_semaphore(%run_scoped3A_35 : memref<!tpu.dma_semaphore, #tpu.memory_space<semaphore_mem>>)
        %dma_wait3A_44 = arith.constant 0 : i32
        %dma_wait3A_45 = tpu.memref_slice %arg9[%run_scoped3A, %dma_wait3A_44] : memref<1x80xi32, #tpu.memory_space<vmem>> -> memref<1x80xi32, #tpu.memory_space<vmem>>
        %dma_wait3A_46 = tpu.memref_squeeze %dma_wait3A_45 : memref<1x80xi32, #tpu.memory_space<vmem>> -> memref<80xi32, #tpu.memory_space<vmem>>
        %dma_wait3A_47 = tpu.memref_slice %arg3[%add3A_14] : memref<320000xi32, #tpu.memory_space<hbm>> -> memref<80xi32, #tpu.memory_space<hbm>>
        %dma_wait3A_48 = arith.constant 0 : i32
        %dma_wait3A_49 = tpu.memref_slice %arg9[%run_scoped3A, %dma_wait3A_48] : memref<1x80xi32, #tpu.memory_space<vmem>> -> memref<1x80xi32, #tpu.memory_space<vmem>>
        %dma_wait3A_50 = tpu.memref_squeeze %dma_wait3A_49 : memref<1x80xi32, #tpu.memory_space<vmem>> -> memref<80xi32, #tpu.memory_space<vmem>>
        %dma_wait3A_51 = tpu.memref_slice %arg3[%add3A_14] : memref<320000xi32, #tpu.memory_space<hbm>> -> memref<80xi32, #tpu.memory_space<hbm>>
        tpu.wait_dma2 semaphore(%run_scoped3A_35 : memref<!tpu.dma_semaphore, #tpu.memory_space<semaphore_mem>>) src(%dma_wait3A_51 : memref<80xi32, #tpu.memory_space<hbm>>) dst(%dma_wait3A_50 : memref<80xi32, #tpu.memory_space<vmem>>)
        tpu.yield
      }) : () -> ()
      %run_scoped3A_15 = arith.constant 0 : i32
      "tpu.region"() ({
        %run_scoped3A_35 = tpu.sem_alloc : memref<!tpu.dma_semaphore, #tpu.memory_space<semaphore_mem>>
        %dma_start3A_36 = arith.constant 0 : i32
        %dma_start3A_37 = tpu.memref_slice %arg10[%run_scoped3A_15, %dma_start3A_36] : memref<1x80xi32, #tpu.memory_space<vmem>> -> memref<1x80xi32, #tpu.memory_space<vmem>>
        %dma_start3A_38 = tpu.memref_squeeze %dma_start3A_37 : memref<1x80xi32, #tpu.memory_space<vmem>> -> memref<80xi32, #tpu.memory_space<vmem>>
        %dma_start3A_39 = tpu.memref_slice %arg4[%add3A_14] : memref<320000xi32, #tpu.memory_space<hbm>> -> memref<80xi32, #tpu.memory_space<hbm>>
        %dma_start3A_40 = arith.constant 0 : i32
        %dma_start3A_41 = tpu.memref_slice %arg10[%run_scoped3A_15, %dma_start3A_40] : memref<1x80xi32, #tpu.memory_space<vmem>> -> memref<1x80xi32, #tpu.memory_space<vmem>>
        %dma_start3A_42 = tpu.memref_squeeze %dma_start3A_41 : memref<1x80xi32, #tpu.memory_space<vmem>> -> memref<80xi32, #tpu.memory_space<vmem>>
        %dma_start3A_43 = tpu.memref_slice %arg4[%add3A_14] : memref<320000xi32, #tpu.memory_space<hbm>> -> memref<80xi32, #tpu.memory_space<hbm>>
        tpu.enqueue_dma source(%dma_start3A_43 : memref<80xi32, #tpu.memory_space<hbm>>) target(%dma_start3A_42 : memref<80xi32, #tpu.memory_space<vmem>>) target_semaphore(%run_scoped3A_35 : memref<!tpu.dma_semaphore, #tpu.memory_space<semaphore_mem>>)
        %dma_wait3A_44 = arith.constant 0 : i32
        %dma_wait3A_45 = tpu.memref_slice %arg10[%run_scoped3A_15, %dma_wait3A_44] : memref<1x80xi32, #tpu.memory_space<vmem>> -> memref<1x80xi32, #tpu.memory_space<vmem>>
        %dma_wait3A_46 = tpu.memref_squeeze %dma_wait3A_45 : memref<1x80xi32, #tpu.memory_space<vmem>> -> memref<80xi32, #tpu.memory_space<vmem>>
        %dma_wait3A_47 = tpu.memref_slice %arg4[%add3A_14] : memref<320000xi32, #tpu.memory_space<hbm>> -> memref<80xi32, #tpu.memory_space<hbm>>
        %dma_wait3A_48 = arith.constant 0 : i32
        %dma_wait3A_49 = tpu.memref_slice %arg10[%run_scoped3A_15, %dma_wait3A_48] : memref<1x80xi32, #tpu.memory_space<vmem>> -> memref<1x80xi32, #tpu.memory_space<vmem>>
        %dma_wait3A_50 = tpu.memref_squeeze %dma_wait3A_49 : memref<1x80xi32, #tpu.memory_space<vmem>> -> memref<80xi32, #tpu.memory_space<vmem>>
        %dma_wait3A_51 = tpu.memref_slice %arg4[%add3A_14] : memref<320000xi32, #tpu.memory_space<hbm>> -> memref<80xi32, #tpu.memory_space<hbm>>
        tpu.wait_dma2 semaphore(%run_scoped3A_35 : memref<!tpu.dma_semaphore, #tpu.memory_space<semaphore_mem>>) src(%dma_wait3A_51 : memref<80xi32, #tpu.memory_space<hbm>>) dst(%dma_wait3A_50 : memref<80xi32, #tpu.memory_space<vmem>>)
        tpu.yield
      }) : () -> ()
      "tpu.region"() ({
        %run_scoped3A_35 = tpu.sem_alloc : memref<!tpu.dma_semaphore, #tpu.memory_space<semaphore_mem>>
        %dma_start3A_36 = arith.constant 0 : i32
        %dma_start3A_37 = tpu.memref_slice %arg5[%add3A_14, %dma_start3A_36] : memref<320000x128xf32, #tpu.memory_space<hbm>> -> memref<80x128xf32, #tpu.memory_space<hbm>>
        %dma_start3A_38 = arith.constant 0 : i32
        %dma_start3A_39 = tpu.memref_slice %arg5[%add3A_14, %dma_start3A_38] : memref<320000x128xf32, #tpu.memory_space<hbm>> -> memref<80x128xf32, #tpu.memory_space<hbm>>
        tpu.enqueue_dma source(%dma_start3A_39 : memref<80x128xf32, #tpu.memory_space<hbm>>) target(%arg11 : memref<80x128xf32, #tpu.memory_space<vmem>>) target_semaphore(%run_scoped3A_35 : memref<!tpu.dma_semaphore, #tpu.memory_space<semaphore_mem>>)
        %dma_wait3A_40 = arith.constant 0 : i32
        %dma_wait3A_41 = tpu.memref_slice %arg5[%add3A_14, %dma_wait3A_40] : memref<320000x128xf32, #tpu.memory_space<hbm>> -> memref<80x128xf32, #tpu.memory_space<hbm>>
        %dma_wait3A_42 = arith.constant 0 : i32
        %dma_wait3A_43 = tpu.memref_slice %arg5[%add3A_14, %dma_wait3A_42] : memref<320000x128xf32, #tpu.memory_space<hbm>> -> memref<80x128xf32, #tpu.memory_space<hbm>>
        tpu.wait_dma2 semaphore(%run_scoped3A_35 : memref<!tpu.dma_semaphore, #tpu.memory_space<semaphore_mem>>) src(%dma_wait3A_43 : memref<80x128xf32, #tpu.memory_space<hbm>>) dst(%arg11 : memref<80x128xf32, #tpu.memory_space<vmem>>)
        tpu.yield
      }) : () -> ()
      %dma_start3A = arith.constant 0 : i32
      %dma_start3A_16 = arith.constant 0 : i32
      %dma_start3A_17 = tpu.memref_slice %arg9[%dma_start3A, %dma_start3A_16] : memref<1x80xi32, #tpu.memory_space<vmem>> -> memref<1x80xi32, #tpu.memory_space<vmem>>
      %dma_start3A_18 = tpu.memref_squeeze %dma_start3A_17 : memref<1x80xi32, #tpu.memory_space<vmem>> -> memref<80xi32, #tpu.memory_space<vmem>>
      %dma_start3A_19 = arith.constant 0 : i32
      %dma_start3A_20 = arith.constant 0 : i32
      %dma_start3A_21 = tpu.memref_slice %arg2[%dma_start3A_19, %dma_start3A_20] : memref<10240x128xf32, #tpu.memory_space<hbm>> -> memref<10240x128xf32, #tpu.memory_space<hbm>>
      tpu.enqueue_indirect_dma source(%dma_start3A_21 : memref<10240x128xf32, #tpu.memory_space<hbm>>) target(%arg12 : memref<80x128xf32, #tpu.memory_space<vmem>>) offsets(%dma_start3A_18 : memref<80xi32, #tpu.memory_space<vmem>>) semaphore(%arg13 : memref<!tpu.dma_semaphore, #tpu.memory_space<semaphore_mem>>)
      %dma_wait3A = arith.constant 0 : i32
      %dma_wait3A_22 = arith.constant 0 : i32
      %dma_wait3A_23 = tpu.memref_slice %arg9[%dma_wait3A, %dma_wait3A_22] : memref<1x80xi32, #tpu.memory_space<vmem>> -> memref<1x80xi32, #tpu.memory_space<vmem>>
      %dma_wait3A_24 = tpu.memref_squeeze %dma_wait3A_23 : memref<1x80xi32, #tpu.memory_space<vmem>> -> memref<80xi32, #tpu.memory_space<vmem>>
      %dma_wait3A_25 = arith.constant 0 : i32
      %dma_wait3A_26 = arith.constant 0 : i32
      %dma_wait3A_27 = tpu.memref_slice %arg2[%dma_wait3A_25, %dma_wait3A_26] : memref<10240x128xf32, #tpu.memory_space<hbm>> -> memref<10240x128xf32, #tpu.memory_space<hbm>>
      tpu.wait_indirect_dma semaphore(%arg13 : memref<!tpu.dma_semaphore, #tpu.memory_space<semaphore_mem>>) src(%dma_wait3A_27 : memref<10240x128xf32, #tpu.memory_space<hbm>>) dst(%arg12 : memref<80x128xf32, #tpu.memory_space<vmem>>)
      %scan3A_28 = arith.constant 0 : i32
      %scan3A_29 = arith.constant 0 : i32
      %scan3A_30 = arith.constant 80 : i32
      %scan3A_31 = arith.addi %scan3A_29, %scan3A_30 : i32
      %scan3A_32 = arith.constant 1 : i32
      scf.for %scan3A_35 = %scan3A_29 to %scan3A_31 step %scan3A_32  : i32 {
        %get3A = arith.index_cast %scan3A_35 : i32 to index
        %get3A_36 = arith.constant 0 : index
        %get3A_37 = tpu.vector_load %arg11[%get3A, %get3A_36] {strides = array<i32>} : memref<80x128xf32, #tpu.memory_space<vmem>>, vector<1x16xf32>,
        %get3A_38 = vector.shape_cast %get3A_37 : vector<1x16xf32> to vector<16xf32>
        %get3A_39 = arith.index_cast %scan3A_35 : i32 to index
        %get3A_40 = arith.constant 0 : index
        %get3A_41 = tpu.vector_load %arg12[%get3A_39, %get3A_40] {strides = array<i32>} : memref<80x128xf32, #tpu.memory_space<vmem>>, vector<1x16xf32>,
        %get3A_42 = vector.shape_cast %get3A_41 : vector<1x16xf32> to vector<16xf32>
        %mul3A_43 = arith.mulf %get3A_42, %get3A_38 : vector<16xf32>
        %swap3A = arith.index_cast %scan3A_35 : i32 to index
        %swap3A_44 = arith.constant 0 : index
        %swap3A_45 = tpu.vector_load %arg12[%swap3A, %swap3A_44] {strides = array<i32>} : memref<80x128xf32, #tpu.memory_space<vmem>>, vector<1x16xf32>,
        %swap3A_46 = vector.shape_cast %swap3A_45 : vector<1x16xf32> to vector<16xf32>
        %swap3A_47 = vector.shape_cast %mul3A_43 : vector<16xf32> to vector<1x16xf32>
        tpu.vector_store %arg12[%swap3A, %swap3A_44], %swap3A_47 {strides = array<i32>} : memref<80x128xf32, #tpu.memory_space<vmem>>, vector<1x16xf32>,
        %get3A_48 = arith.index_cast %scan3A_35 : i32 to index
        %get3A_49 = arith.constant 16 : index
        %get3A_50 = tpu.vector_load %arg12[%get3A_48, %get3A_49] {strides = array<i32>} : memref<80x128xf32, #tpu.memory_space<vmem>>, vector<1x16xf32>,
        %get3A_51 = vector.shape_cast %get3A_50 : vector<1x16xf32> to vector<16xf32>
        %mul3A_52 = arith.mulf %get3A_51, %get3A_38 : vector<16xf32>
        %swap3A_53 = arith.index_cast %scan3A_35 : i32 to index
        %swap3A_54 = arith.constant 16 : index
        %swap3A_55 = tpu.vector_load %arg12[%swap3A_53, %swap3A_54] {strides = array<i32>} : memref<80x128xf32, #tpu.memory_space<vmem>>, vector<1x16xf32>,
        %swap3A_56 = vector.shape_cast %swap3A_55 : vector<1x16xf32> to vector<16xf32>
        %swap3A_57 = vector.shape_cast %mul3A_52 : vector<16xf32> to vector<1x16xf32>
        tpu.vector_store %arg12[%swap3A_53, %swap3A_54], %swap3A_57 {strides = array<i32>} : memref<80x128xf32, #tpu.memory_space<vmem>>, vector<1x16xf32>,
        %get3A_58 = arith.index_cast %scan3A_35 : i32 to index
        %get3A_59 = arith.constant 32 : index
        %get3A_60 = tpu.vector_load %arg12[%get3A_58, %get3A_59] {strides = array<i32>} : memref<80x128xf32, #tpu.memory_space<vmem>>, vector<1x16xf32>,
        %get3A_61 = vector.shape_cast %get3A_60 : vector<1x16xf32> to vector<16xf32>
        %mul3A_62 = arith.mulf %get3A_61, %get3A_38 : vector<16xf32>
        %swap3A_63 = arith.index_cast %scan3A_35 : i32 to index
        %swap3A_64 = arith.constant 32 : index
        %swap3A_65 = tpu.vector_load %arg12[%swap3A_63, %swap3A_64] {strides = array<i32>} : memref<80x128xf32, #tpu.memory_space<vmem>>, vector<1x16xf32>,
        %swap3A_66 = vector.shape_cast %swap3A_65 : vector<1x16xf32> to vector<16xf32>
        %swap3A_67 = vector.shape_cast %mul3A_62 : vector<16xf32> to vector<1x16xf32>
        tpu.vector_store %arg12[%swap3A_63, %swap3A_64], %swap3A_67 {strides = array<i32>} : memref<80x128xf32, #tpu.memory_space<vmem>>, vector<1x16xf32>,
        %get3A_68 = arith.index_cast %scan3A_35 : i32 to index
        %get3A_69 = arith.constant 48 : index
        %get3A_70 = tpu.vector_load %arg12[%get3A_68, %get3A_69] {strides = array<i32>} : memref<80x128xf32, #tpu.memory_space<vmem>>, vector<1x16xf32>,
        %get3A_71 = vector.shape_cast %get3A_70 : vector<1x16xf32> to vector<16xf32>
        %mul3A_72 = arith.mulf %get3A_71, %get3A_38 : vector<16xf32>
        %swap3A_73 = arith.index_cast %scan3A_35 : i32 to index
        %swap3A_74 = arith.constant 48 : index
        %swap3A_75 = tpu.vector_load %arg12[%swap3A_73, %swap3A_74] {strides = array<i32>} : memref<80x128xf32, #tpu.memory_space<vmem>>, vector<1x16xf32>,
        %swap3A_76 = vector.shape_cast %swap3A_75 : vector<1x16xf32> to vector<16xf32>
        %swap3A_77 = vector.shape_cast %mul3A_72 : vector<16xf32> to vector<1x16xf32>
        tpu.vector_store %arg12[%swap3A_73, %swap3A_74], %swap3A_77 {strides = array<i32>} : memref<80x128xf32, #tpu.memory_space<vmem>>, vector<1x16xf32>,
        %get3A_78 = arith.index_cast %scan3A_35 : i32 to index
        %get3A_79 = arith.constant 64 : index
        %get3A_80 = tpu.vector_load %arg12[%get3A_78, %get3A_79] {strides = array<i32>} : memref<80x128xf32, #tpu.memory_space<vmem>>, vector<1x16xf32>,
        %get3A_81 = vector.shape_cast %get3A_80 : vector<1x16xf32> to vector<16xf32>
        %mul3A_82 = arith.mulf %get3A_81, %get3A_38 : vector<16xf32>
        %swap3A_83 = arith.index_cast %scan3A_35 : i32 to index
        %swap3A_84 = arith.constant 64 : index
        %swap3A_85 = tpu.vector_load %arg12[%swap3A_83, %swap3A_84] {strides = array<i32>} : memref<80x128xf32, #tpu.memory_space<vmem>>, vector<1x16xf32>,
        %swap3A_86 = vector.shape_cast %swap3A_85 : vector<1x16xf32> to vector<16xf32>
        %swap3A_87 = vector.shape_cast %mul3A_82 : vector<16xf32> to vector<1x16xf32>
        tpu.vector_store %arg12[%swap3A_83, %swap3A_84], %swap3A_87 {strides = array<i32>} : memref<80x128xf32, #tpu.memory_space<vmem>>, vector<1x16xf32>,
        %get3A_88 = arith.index_cast %scan3A_35 : i32 to index
        %get3A_89 = arith.constant 80 : index
        %get3A_90 = tpu.vector_load %arg12[%get3A_88, %get3A_89] {strides = array<i32>} : memref<80x128xf32, #tpu.memory_space<vmem>>, vector<1x16xf32>,
        %get3A_91 = vector.shape_cast %get3A_90 : vector<1x16xf32> to vector<16xf32>
        %mul3A_92 = arith.mulf %get3A_91, %get3A_38 : vector<16xf32>
        %swap3A_93 = arith.index_cast %scan3A_35 : i32 to index
        %swap3A_94 = arith.constant 80 : index
        %swap3A_95 = tpu.vector_load %arg12[%swap3A_93, %swap3A_94] {strides = array<i32>} : memref<80x128xf32, #tpu.memory_space<vmem>>, vector<1x16xf32>,
        %swap3A_96 = vector.shape_cast %swap3A_95 : vector<1x16xf32> to vector<16xf32>
        %swap3A_97 = vector.shape_cast %mul3A_92 : vector<16xf32> to vector<1x16xf32>
        tpu.vector_store %arg12[%swap3A_93, %swap3A_94], %swap3A_97 {strides = array<i32>} : memref<80x128xf32, #tpu.memory_space<vmem>>, vector<1x16xf32>,
        %get3A_98 = arith.index_cast %scan3A_35 : i32 to index
        %get3A_99 = arith.constant 96 : index
        %get3A_100 = tpu.vector_load %arg12[%get3A_98, %get3A_99] {strides = array<i32>} : memref<80x128xf32, #tpu.memory_space<vmem>>, vector<1x16xf32>,
        %get3A_101 = vector.shape_cast %get3A_100 : vector<1x16xf32> to vector<16xf32>
        %mul3A_102 = arith.mulf %get3A_101, %get3A_38 : vector<16xf32>
        %swap3A_103 = arith.index_cast %scan3A_35 : i32 to index
        %swap3A_104 = arith.constant 96 : index
        %swap3A_105 = tpu.vector_load %arg12[%swap3A_103, %swap3A_104] {strides = array<i32>} : memref<80x128xf32, #tpu.memory_space<vmem>>, vector<1x16xf32>,
        %swap3A_106 = vector.shape_cast %swap3A_105 : vector<1x16xf32> to vector<16xf32>
        %swap3A_107 = vector.shape_cast %mul3A_102 : vector<16xf32> to vector<1x16xf32>
        tpu.vector_store %arg12[%swap3A_103, %swap3A_104], %swap3A_107 {strides = array<i32>} : memref<80x128xf32, #tpu.memory_space<vmem>>, vector<1x16xf32>,
        %get3A_108 = arith.index_cast %scan3A_35 : i32 to index
        %get3A_109 = arith.constant 112 : index
        %get3A_110 = tpu.vector_load %arg12[%get3A_108, %get3A_109] {strides = array<i32>} : memref<80x128xf32, #tpu.memory_space<vmem>>, vector<1x16xf32>,
        %get3A_111 = vector.shape_cast %get3A_110 : vector<1x16xf32> to vector<16xf32>
        %mul3A_112 = arith.mulf %get3A_111, %get3A_38 : vector<16xf32>
        %swap3A_113 = arith.index_cast %scan3A_35 : i32 to index
        %swap3A_114 = arith.constant 112 : index
        %swap3A_115 = tpu.vector_load %arg12[%swap3A_113, %swap3A_114] {strides = array<i32>} : memref<80x128xf32, #tpu.memory_space<vmem>>, vector<1x16xf32>,
        %swap3A_116 = vector.shape_cast %swap3A_115 : vector<1x16xf32> to vector<16xf32>
        %swap3A_117 = vector.shape_cast %mul3A_112 : vector<16xf32> to vector<1x16xf32>
        tpu.vector_store %arg12[%swap3A_113, %swap3A_114], %swap3A_117 {strides = array<i32>} : memref<80x128xf32, #tpu.memory_space<vmem>>, vector<1x16xf32>,
      }
      %scan3A_33 = arith.constant 80 : i32
      %run_scoped3A_34 = arith.constant 0 : i32
      "tpu.region"() ({
        %run_scoped3A_35 = tpu.sem_alloc : memref<!tpu.dma_semaphore, #tpu.memory_space<semaphore_mem>>
        %dma_start3A_36 = arith.constant 0 : i32
        %dma_start3A_37 = tpu.memref_slice %arg10[%run_scoped3A_34, %dma_start3A_36] : memref<1x80xi32, #tpu.memory_space<vmem>> -> memref<1x80xi32, #tpu.memory_space<vmem>>
        %dma_start3A_38 = tpu.memref_squeeze %dma_start3A_37 : memref<1x80xi32, #tpu.memory_space<vmem>> -> memref<80xi32, #tpu.memory_space<vmem>>
        %dma_start3A_39 = arith.constant 0 : i32
        %dma_start3A_40 = arith.constant 0 : i32
        %dma_start3A_41 = tpu.memref_slice %arg8[%dma_start3A_39, %dma_start3A_40] : memref<10240x128xf32, #tpu.memory_space<vmem_shared>> -> memref<10240x128xf32, #tpu.memory_space<vmem_shared>>
        tpu.enqueue_indirect_dma source(%arg12 : memref<80x128xf32, #tpu.memory_space<vmem>>) target(%dma_start3A_41 : memref<10240x128xf32, #tpu.memory_space<vmem_shared>>) offsets(%dma_start3A_38 : memref<80xi32, #tpu.memory_space<vmem>>) semaphore(%run_scoped3A_35 : memref<!tpu.dma_semaphore, #tpu.memory_space<semaphore_mem>>) {add = true}
        %dma_wait3A_42 = arith.constant 0 : i32
        %dma_wait3A_43 = tpu.memref_slice %arg10[%run_scoped3A_34, %dma_wait3A_42] : memref<1x80xi32, #tpu.memory_space<vmem>> -> memref<1x80xi32, #tpu.memory_space<vmem>>
        %dma_wait3A_44 = tpu.memref_squeeze %dma_wait3A_43 : memref<1x80xi32, #tpu.memory_space<vmem>> -> memref<80xi32, #tpu.memory_space<vmem>>
        %dma_wait3A_45 = arith.constant 0 : i32
        %dma_wait3A_46 = arith.constant 0 : i32
        %dma_wait3A_47 = tpu.memref_slice %arg8[%dma_wait3A_45, %dma_wait3A_46] : memref<10240x128xf32, #tpu.memory_space<vmem_shared>> -> memref<10240x128xf32, #tpu.memory_space<vmem_shared>>
        tpu.wait_indirect_dma semaphore(%run_scoped3A_35 : memref<!tpu.dma_semaphore, #tpu.memory_space<semaphore_mem>>) src(%arg12 : memref<80x128xf32, #tpu.memory_space<vmem>>) dst(%dma_wait3A_47 : memref<10240x128xf32, #tpu.memory_space<vmem_shared>>)
        tpu.yield
      }) : () -> ()
    }
    %scan3A_9 = arith.constant 125 : i32
    %barrier3A_10 = arith.constant 0 : index
    tpu.barrier barrier_id(%barrier3A_10)
    "tpu.region"() ({
      %run_scoped3A = tpu.sem_alloc : memref<!tpu.dma_semaphore, #tpu.memory_space<semaphore_mem>>
      %dma_start3A = arith.constant 0 : i32
      %dma_start3A_11 = tpu.memref_slice %arg7[%arg0, %mul3A_0, %dma_start3A] : memref<2x10240x128xf32, #tpu.memory_space<hbm>> -> memref<1x640x128xf32, #tpu.memory_space<hbm>>
      %dma_start3A_12 = tpu.memref_squeeze %dma_start3A_11 : memref<1x640x128xf32, #tpu.memory_space<hbm>> -> memref<640x128xf32, #tpu.memory_space<hbm>>
      %dma_start3A_13 = arith.constant 0 : i32
      %dma_start3A_14 = tpu.memref_slice %arg8[%mul3A_0, %dma_start3A_13] : memref<10240x128xf32, #tpu.memory_space<vmem_shared>> -> memref<640x128xf32, #tpu.memory_space<vmem_shared>>
      tpu.enqueue_dma source(%dma_start3A_14 : memref<640x128xf32, #tpu.memory_space<vmem_shared>>) target(%dma_start3A_12 : memref<640x128xf32, #tpu.memory_space<hbm>>) target_semaphore(%run_scoped3A : memref<!tpu.dma_semaphore, #tpu.memory_space<semaphore_mem>>)
      %dma_wait3A = arith.constant 0 : i32
      %dma_wait3A_15 = tpu.memref_slice %arg7[%arg0, %mul3A_0, %dma_wait3A] : memref<2x10240x128xf32, #tpu.memory_space<hbm>> -> memref<1x640x128xf32, #tpu.memory_space<hbm>>
      %dma_wait3A_16 = tpu.memref_squeeze %dma_wait3A_15 : memref<1x640x128xf32, #tpu.memory_space<hbm>> -> memref<640x128xf32, #tpu.memory_space<hbm>>
      %dma_wait3A_17 = arith.constant 0 : i32
      %dma_wait3A_18 = tpu.memref_slice %arg8[%mul3A_0, %dma_wait3A_17] : memref<10240x128xf32, #tpu.memory_space<vmem_shared>> -> memref<640x128xf32, #tpu.memory_space<vmem_shared>>
      tpu.wait_dma2 semaphore(%run_scoped3A : memref<!tpu.dma_semaphore, #tpu.memory_space<semaphore_mem>>) src(%dma_wait3A_18 : memref<640x128xf32, #tpu.memory_space<vmem_shared>>) dst(%dma_wait3A_16 : memref<640x128xf32, #tpu.memory_space<hbm>>)
      tpu.yield
    }) : () -> ()
    return
  }
}

#map = affine_map<(d0, d1) -> (0, 0)>
#map1 = affine_map<(d0, d1) -> (0)>
#map2 = affine_map<(d0, d1) -> (0, 0, 0)>
module attributes {stable_mosaic.version = 14 : i64} {
  func.func @_sc_body(%arg0: i32, %arg1: i32, %arg2: memref<10240x128xf32, #tpu.memory_space<hbm>>, %arg3: memref<320000xi32, #tpu.memory_space<hbm>>, %arg4: memref<320000xi32, #tpu.memory_space<hbm>>, %arg5: memref<320000x128xf32, #tpu.memory_space<hbm>>, %arg6: memref<10240x128xf32, #tpu.memory_space<hbm>>, %arg7: memref<2x10240x128xf32, #tpu.memory_space<hbm>>, %arg8: memref<10240x128xf32, #tpu.memory_space<vmem_shared>>, %arg9: memref<1x80xi32, #tpu.memory_space<vmem>>, %arg10: memref<1x80xi32, #tpu.memory_space<vmem>>, %arg11: memref<80x128xf32, #tpu.memory_space<vmem>>, %arg12: memref<80x128xf32, #tpu.memory_space<vmem>>, %arg13: memref<!tpu.dma_semaphore, #tpu.memory_space<semaphore_mem>>) attributes {dimension_semantics = [#tpu.dimension_semantics<core_parallel>, #tpu.dimension_semantics<subcore_parallel>], iteration_bounds = array<i64: 2, 16>, scalar_prefetch = 0 : i64, scratch_operands = 6 : i64, tpu.core_type = #tpu.core_type<sc_vector_subcore>, window_params = [{transform_indices = #map}, {transform_indices = #map1}, {transform_indices = #map1}, {transform_indices = #map}, {transform_indices = #map}, {transform_indices = #map2}]} {
    %mul3A = arith.constant 640 : i32
    %mul3A_0 = arith.muli %arg1, %mul3A : i32
    "tpu.region"() ({
      %run_scoped3A = tpu.sem_alloc : memref<!tpu.dma_semaphore, #tpu.memory_space<semaphore_mem>>
      %dma_start3A = arith.constant 0 : i32
      %dma_start3A_11 = tpu.memref_slice %arg8[%mul3A_0, %dma_start3A] : memref<10240x128xf32, #tpu.memory_space<vmem_shared>> -> memref<640x128xf32, #tpu.memory_space<vmem_shared>>
      %dma_start3A_12 = arith.constant 0 : i32
      %dma_start3A_13 = tpu.memref_slice %arg6[%mul3A_0, %dma_start3A_12] : memref<10240x128xf32, #tpu.memory_space<hbm>> -> memref<640x128xf32, #tpu.memory_space<hbm>>
      tpu.enqueue_dma source(%dma_start3A_13 : memref<640x128xf32, #tpu.memory_space<hbm>>) target(%dma_start3A_11 : memref<640x128xf32, #tpu.memory_space<vmem_shared>>) target_semaphore(%run_scoped3A : memref<!tpu.dma_semaphore, #tpu.memory_space<semaphore_mem>>)
      %dma_wait3A = arith.constant 0 : i32
      %dma_wait3A_14 = tpu.memref_slice %arg8[%mul3A_0, %dma_wait3A] : memref<10240x128xf32, #tpu.memory_space<vmem_shared>> -> memref<640x128xf32, #tpu.memory_space<vmem_shared>>
      %dma_wait3A_15 = arith.constant 0 : i32
      %dma_wait3A_16 = tpu.memref_slice %arg6[%mul3A_0, %dma_wait3A_15] : memref<10240x128xf32, #tpu.memory_space<hbm>> -> memref<640x128xf32, #tpu.memory_space<hbm>>
      tpu.wait_dma2 semaphore(%run_scoped3A : memref<!tpu.dma_semaphore, #tpu.memory_space<semaphore_mem>>) src(%dma_wait3A_16 : memref<640x128xf32, #tpu.memory_space<hbm>>) dst(%dma_wait3A_14 : memref<640x128xf32, #tpu.memory_space<vmem_shared>>)
      tpu.yield
    }) : () -> ()
    %barrier3A = arith.constant 0 : index
    tpu.barrier barrier_id(%barrier3A)
    %mul3A_1 = arith.constant 160000 : i32
    %mul3A_2 = arith.muli %arg0, %mul3A_1 : i32
    %mul3A_3 = arith.constant 10000 : i32
    %mul3A_4 = arith.muli %arg1, %mul3A_3 : i32
    %add3A = arith.addi %mul3A_2, %mul3A_4 : i32
    %scan3A = arith.constant 0 : i32
    %scan3A_5 = arith.constant 0 : i32
    %scan3A_6 = arith.constant 125 : i32
    %scan3A_7 = arith.addi %scan3A_5, %scan3A_6 : i32
    %scan3A_8 = arith.constant 1 : i32
    scf.for %scan3A_11 = %scan3A_5 to %scan3A_7 step %scan3A_8  : i32 {
      %mul3A_12 = arith.constant 80 : i32
      %mul3A_13 = arith.muli %scan3A_11, %mul3A_12 : i32
      %add3A_14 = arith.addi %add3A, %mul3A_13 : i32
      %run_scoped3A = arith.constant 0 : i32
      "tpu.region"() ({
        %run_scoped3A_35 = tpu.sem_alloc : memref<!tpu.dma_semaphore, #tpu.memory_space<semaphore_mem>>
        %dma_start3A_36 = arith.constant 0 : i32
        %dma_start3A_37 = tpu.memref_slice %arg9[%run_scoped3A, %dma_start3A_36] : memref<1x80xi32, #tpu.memory_space<vmem>> -> memref<1x80xi32, #tpu.memory_space<vmem>>
        %dma_start3A_38 = tpu.memref_squeeze %dma_start3A_37 : memref<1x80xi32, #tpu.memory_space<vmem>> -> memref<80xi32, #tpu.memory_space<vmem>>
        %dma_start3A_39 = tpu.memref_slice %arg3[%add3A_14] : memref<320000xi32, #tpu.memory_space<hbm>> -> memref<80xi32, #tpu.memory_space<hbm>>
        %dma_start3A_40 = arith.constant 0 : i32
        %dma_start3A_41 = tpu.memref_slice %arg9[%run_scoped3A, %dma_start3A_40] : memref<1x80xi32, #tpu.memory_space<vmem>> -> memref<1x80xi32, #tpu.memory_space<vmem>>
        %dma_start3A_42 = tpu.memref_squeeze %dma_start3A_41 : memref<1x80xi32, #tpu.memory_space<vmem>> -> memref<80xi32, #tpu.memory_space<vmem>>
        %dma_start3A_43 = tpu.memref_slice %arg3[%add3A_14] : memref<320000xi32, #tpu.memory_space<hbm>> -> memref<80xi32, #tpu.memory_space<hbm>>
        tpu.enqueue_dma source(%dma_start3A_43 : memref<80xi32, #tpu.memory_space<hbm>>) target(%dma_start3A_42 : memref<80xi32, #tpu.memory_space<vmem>>) target_semaphore(%run_scoped3A_35 : memref<!tpu.dma_semaphore, #tpu.memory_space<semaphore_mem>>)
        %dma_wait3A_44 = arith.constant 0 : i32
        %dma_wait3A_45 = tpu.memref_slice %arg9[%run_scoped3A, %dma_wait3A_44] : memref<1x80xi32, #tpu.memory_space<vmem>> -> memref<1x80xi32, #tpu.memory_space<vmem>>
        %dma_wait3A_46 = tpu.memref_squeeze %dma_wait3A_45 : memref<1x80xi32, #tpu.memory_space<vmem>> -> memref<80xi32, #tpu.memory_space<vmem>>
        %dma_wait3A_47 = tpu.memref_slice %arg3[%add3A_14] : memref<320000xi32, #tpu.memory_space<hbm>> -> memref<80xi32, #tpu.memory_space<hbm>>
        %dma_wait3A_48 = arith.constant 0 : i32
        %dma_wait3A_49 = tpu.memref_slice %arg9[%run_scoped3A, %dma_wait3A_48] : memref<1x80xi32, #tpu.memory_space<vmem>> -> memref<1x80xi32, #tpu.memory_space<vmem>>
        %dma_wait3A_50 = tpu.memref_squeeze %dma_wait3A_49 : memref<1x80xi32, #tpu.memory_space<vmem>> -> memref<80xi32, #tpu.memory_space<vmem>>
        %dma_wait3A_51 = tpu.memref_slice %arg3[%add3A_14] : memref<320000xi32, #tpu.memory_space<hbm>> -> memref<80xi32, #tpu.memory_space<hbm>>
        tpu.wait_dma2 semaphore(%run_scoped3A_35 : memref<!tpu.dma_semaphore, #tpu.memory_space<semaphore_mem>>) src(%dma_wait3A_51 : memref<80xi32, #tpu.memory_space<hbm>>) dst(%dma_wait3A_50 : memref<80xi32, #tpu.memory_space<vmem>>)
        tpu.yield
      }) : () -> ()
      %run_scoped3A_15 = arith.constant 0 : i32
      "tpu.region"() ({
        %run_scoped3A_35 = tpu.sem_alloc : memref<!tpu.dma_semaphore, #tpu.memory_space<semaphore_mem>>
        %dma_start3A_36 = arith.constant 0 : i32
        %dma_start3A_37 = tpu.memref_slice %arg10[%run_scoped3A_15, %dma_start3A_36] : memref<1x80xi32, #tpu.memory_space<vmem>> -> memref<1x80xi32, #tpu.memory_space<vmem>>
        %dma_start3A_38 = tpu.memref_squeeze %dma_start3A_37 : memref<1x80xi32, #tpu.memory_space<vmem>> -> memref<80xi32, #tpu.memory_space<vmem>>
        %dma_start3A_39 = tpu.memref_slice %arg4[%add3A_14] : memref<320000xi32, #tpu.memory_space<hbm>> -> memref<80xi32, #tpu.memory_space<hbm>>
        %dma_start3A_40 = arith.constant 0 : i32
        %dma_start3A_41 = tpu.memref_slice %arg10[%run_scoped3A_15, %dma_start3A_40] : memref<1x80xi32, #tpu.memory_space<vmem>> -> memref<1x80xi32, #tpu.memory_space<vmem>>
        %dma_start3A_42 = tpu.memref_squeeze %dma_start3A_41 : memref<1x80xi32, #tpu.memory_space<vmem>> -> memref<80xi32, #tpu.memory_space<vmem>>
        %dma_start3A_43 = tpu.memref_slice %arg4[%add3A_14] : memref<320000xi32, #tpu.memory_space<hbm>> -> memref<80xi32, #tpu.memory_space<hbm>>
        tpu.enqueue_dma source(%dma_start3A_43 : memref<80xi32, #tpu.memory_space<hbm>>) target(%dma_start3A_42 : memref<80xi32, #tpu.memory_space<vmem>>) target_semaphore(%run_scoped3A_35 : memref<!tpu.dma_semaphore, #tpu.memory_space<semaphore_mem>>)
        %dma_wait3A_44 = arith.constant 0 : i32
        %dma_wait3A_45 = tpu.memref_slice %arg10[%run_scoped3A_15, %dma_wait3A_44] : memref<1x80xi32, #tpu.memory_space<vmem>> -> memref<1x80xi32, #tpu.memory_space<vmem>>
        %dma_wait3A_46 = tpu.memref_squeeze %dma_wait3A_45 : memref<1x80xi32, #tpu.memory_space<vmem>> -> memref<80xi32, #tpu.memory_space<vmem>>
        %dma_wait3A_47 = tpu.memref_slice %arg4[%add3A_14] : memref<320000xi32, #tpu.memory_space<hbm>> -> memref<80xi32, #tpu.memory_space<hbm>>
        %dma_wait3A_48 = arith.constant 0 : i32
        %dma_wait3A_49 = tpu.memref_slice %arg10[%run_scoped3A_15, %dma_wait3A_48] : memref<1x80xi32, #tpu.memory_space<vmem>> -> memref<1x80xi32, #tpu.memory_space<vmem>>
        %dma_wait3A_50 = tpu.memref_squeeze %dma_wait3A_49 : memref<1x80xi32, #tpu.memory_space<vmem>> -> memref<80xi32, #tpu.memory_space<vmem>>
        %dma_wait3A_51 = tpu.memref_slice %arg4[%add3A_14] : memref<320000xi32, #tpu.memory_space<hbm>> -> memref<80xi32, #tpu.memory_space<hbm>>
        tpu.wait_dma2 semaphore(%run_scoped3A_35 : memref<!tpu.dma_semaphore, #tpu.memory_space<semaphore_mem>>) src(%dma_wait3A_51 : memref<80xi32, #tpu.memory_space<hbm>>) dst(%dma_wait3A_50 : memref<80xi32, #tpu.memory_space<vmem>>)
        tpu.yield
      }) : () -> ()
      "tpu.region"() ({
        %run_scoped3A_35 = tpu.sem_alloc : memref<!tpu.dma_semaphore, #tpu.memory_space<semaphore_mem>>
        %dma_start3A_36 = arith.constant 0 : i32
        %dma_start3A_37 = tpu.memref_slice %arg5[%add3A_14, %dma_start3A_36] : memref<320000x128xf32, #tpu.memory_space<hbm>> -> memref<80x128xf32, #tpu.memory_space<hbm>>
        %dma_start3A_38 = arith.constant 0 : i32
        %dma_start3A_39 = tpu.memref_slice %arg5[%add3A_14, %dma_start3A_38] : memref<320000x128xf32, #tpu.memory_space<hbm>> -> memref<80x128xf32, #tpu.memory_space<hbm>>
        tpu.enqueue_dma source(%dma_start3A_39 : memref<80x128xf32, #tpu.memory_space<hbm>>) target(%arg11 : memref<80x128xf32, #tpu.memory_space<vmem>>) target_semaphore(%run_scoped3A_35 : memref<!tpu.dma_semaphore, #tpu.memory_space<semaphore_mem>>)
        %dma_wait3A_40 = arith.constant 0 : i32
        %dma_wait3A_41 = tpu.memref_slice %arg5[%add3A_14, %dma_wait3A_40] : memref<320000x128xf32, #tpu.memory_space<hbm>> -> memref<80x128xf32, #tpu.memory_space<hbm>>
        %dma_wait3A_42 = arith.constant 0 : i32
        %dma_wait3A_43 = tpu.memref_slice %arg5[%add3A_14, %dma_wait3A_42] : memref<320000x128xf32, #tpu.memory_space<hbm>> -> memref<80x128xf32, #tpu.memory_space<hbm>>
        tpu.wait_dma2 semaphore(%run_scoped3A_35 : memref<!tpu.dma_semaphore, #tpu.memory_space<semaphore_mem>>) src(%dma_wait3A_43 : memref<80x128xf32, #tpu.memory_space<hbm>>) dst(%arg11 : memref<80x128xf32, #tpu.memory_space<vmem>>)
        tpu.yield
      }) : () -> ()
      %dma_start3A = arith.constant 0 : i32
      %dma_start3A_16 = arith.constant 0 : i32
      %dma_start3A_17 = tpu.memref_slice %arg9[%dma_start3A, %dma_start3A_16] : memref<1x80xi32, #tpu.memory_space<vmem>> -> memref<1x80xi32, #tpu.memory_space<vmem>>
      %dma_start3A_18 = tpu.memref_squeeze %dma_start3A_17 : memref<1x80xi32, #tpu.memory_space<vmem>> -> memref<80xi32, #tpu.memory_space<vmem>>
      %dma_start3A_19 = arith.constant 0 : i32
      %dma_start3A_20 = arith.constant 0 : i32
      %dma_start3A_21 = tpu.memref_slice %arg2[%dma_start3A_19, %dma_start3A_20] : memref<10240x128xf32, #tpu.memory_space<hbm>> -> memref<10240x128xf32, #tpu.memory_space<hbm>>
      tpu.enqueue_indirect_dma source(%dma_start3A_21 : memref<10240x128xf32, #tpu.memory_space<hbm>>) target(%arg12 : memref<80x128xf32, #tpu.memory_space<vmem>>) offsets(%dma_start3A_18 : memref<80xi32, #tpu.memory_space<vmem>>) semaphore(%arg13 : memref<!tpu.dma_semaphore, #tpu.memory_space<semaphore_mem>>)
      %dma_wait3A = arith.constant 0 : i32
      %dma_wait3A_22 = arith.constant 0 : i32
      %dma_wait3A_23 = tpu.memref_slice %arg9[%dma_wait3A, %dma_wait3A_22] : memref<1x80xi32, #tpu.memory_space<vmem>> -> memref<1x80xi32, #tpu.memory_space<vmem>>
      %dma_wait3A_24 = tpu.memref_squeeze %dma_wait3A_23 : memref<1x80xi32, #tpu.memory_space<vmem>> -> memref<80xi32, #tpu.memory_space<vmem>>
      %dma_wait3A_25 = arith.constant 0 : i32
      %dma_wait3A_26 = arith.constant 0 : i32
      %dma_wait3A_27 = tpu.memref_slice %arg2[%dma_wait3A_25, %dma_wait3A_26] : memref<10240x128xf32, #tpu.memory_space<hbm>> -> memref<10240x128xf32, #tpu.memory_space<hbm>>
      tpu.wait_indirect_dma semaphore(%arg13 : memref<!tpu.dma_semaphore, #tpu.memory_space<semaphore_mem>>) src(%dma_wait3A_27 : memref<10240x128xf32, #tpu.memory_space<hbm>>) dst(%arg12 : memref<80x128xf32, #tpu.memory_space<vmem>>)
      %scan3A_28 = arith.constant 0 : i32
      %scan3A_29 = arith.constant 0 : i32
      %scan3A_30 = arith.constant 80 : i32
      %scan3A_31 = arith.addi %scan3A_29, %scan3A_30 : i32
      %scan3A_32 = arith.constant 1 : i32
      scf.for %scan3A_35 = %scan3A_29 to %scan3A_31 step %scan3A_32  : i32 {
        %get3A = arith.index_cast %scan3A_35 : i32 to index
        %get3A_36 = arith.constant 0 : index
        %get3A_37 = tpu.vector_load %arg11[%get3A, %get3A_36] {strides = array<i32>} : memref<80x128xf32, #tpu.memory_space<vmem>>, vector<1x16xf32>,
        %get3A_38 = vector.shape_cast %get3A_37 : vector<1x16xf32> to vector<16xf32>
        %get3A_39 = arith.index_cast %scan3A_35 : i32 to index
        %get3A_40 = arith.constant 0 : index
        %get3A_41 = tpu.vector_load %arg12[%get3A_39, %get3A_40] {strides = array<i32>} : memref<80x128xf32, #tpu.memory_space<vmem>>, vector<1x16xf32>,
        %get3A_42 = vector.shape_cast %get3A_41 : vector<1x16xf32> to vector<16xf32>
        %mul3A_43 = arith.mulf %get3A_42, %get3A_38 : vector<16xf32>
        %swap3A = arith.index_cast %scan3A_35 : i32 to index
        %swap3A_44 = arith.constant 0 : index
        %swap3A_45 = tpu.vector_load %arg12[%swap3A, %swap3A_44] {strides = array<i32>} : memref<80x128xf32, #tpu.memory_space<vmem>>, vector<1x16xf32>,
        %swap3A_46 = vector.shape_cast %swap3A_45 : vector<1x16xf32> to vector<16xf32>
        %swap3A_47 = vector.shape_cast %mul3A_43 : vector<16xf32> to vector<1x16xf32>
        tpu.vector_store %arg12[%swap3A, %swap3A_44], %swap3A_47 {strides = array<i32>} : memref<80x128xf32, #tpu.memory_space<vmem>>, vector<1x16xf32>,
        %get3A_48 = arith.index_cast %scan3A_35 : i32 to index
        %get3A_49 = arith.constant 16 : index
        %get3A_50 = tpu.vector_load %arg12[%get3A_48, %get3A_49] {strides = array<i32>} : memref<80x128xf32, #tpu.memory_space<vmem>>, vector<1x16xf32>,
        %get3A_51 = vector.shape_cast %get3A_50 : vector<1x16xf32> to vector<16xf32>
        %mul3A_52 = arith.mulf %get3A_51, %get3A_38 : vector<16xf32>
        %swap3A_53 = arith.index_cast %scan3A_35 : i32 to index
        %swap3A_54 = arith.constant 16 : index
        %swap3A_55 = tpu.vector_load %arg12[%swap3A_53, %swap3A_54] {strides = array<i32>} : memref<80x128xf32, #tpu.memory_space<vmem>>, vector<1x16xf32>,
        %swap3A_56 = vector.shape_cast %swap3A_55 : vector<1x16xf32> to vector<16xf32>
        %swap3A_57 = vector.shape_cast %mul3A_52 : vector<16xf32> to vector<1x16xf32>
        tpu.vector_store %arg12[%swap3A_53, %swap3A_54], %swap3A_57 {strides = array<i32>} : memref<80x128xf32, #tpu.memory_space<vmem>>, vector<1x16xf32>,
        %get3A_58 = arith.index_cast %scan3A_35 : i32 to index
        %get3A_59 = arith.constant 32 : index
        %get3A_60 = tpu.vector_load %arg12[%get3A_58, %get3A_59] {strides = array<i32>} : memref<80x128xf32, #tpu.memory_space<vmem>>, vector<1x16xf32>,
        %get3A_61 = vector.shape_cast %get3A_60 : vector<1x16xf32> to vector<16xf32>
        %mul3A_62 = arith.mulf %get3A_61, %get3A_38 : vector<16xf32>
        %swap3A_63 = arith.index_cast %scan3A_35 : i32 to index
        %swap3A_64 = arith.constant 32 : index
        %swap3A_65 = tpu.vector_load %arg12[%swap3A_63, %swap3A_64] {strides = array<i32>} : memref<80x128xf32, #tpu.memory_space<vmem>>, vector<1x16xf32>,
        %swap3A_66 = vector.shape_cast %swap3A_65 : vector<1x16xf32> to vector<16xf32>
        %swap3A_67 = vector.shape_cast %mul3A_62 : vector<16xf32> to vector<1x16xf32>
        tpu.vector_store %arg12[%swap3A_63, %swap3A_64], %swap3A_67 {strides = array<i32>} : memref<80x128xf32, #tpu.memory_space<vmem>>, vector<1x16xf32>,
        %get3A_68 = arith.index_cast %scan3A_35 : i32 to index
        %get3A_69 = arith.constant 48 : index
        %get3A_70 = tpu.vector_load %arg12[%get3A_68, %get3A_69] {strides = array<i32>} : memref<80x128xf32, #tpu.memory_space<vmem>>, vector<1x16xf32>,
        %get3A_71 = vector.shape_cast %get3A_70 : vector<1x16xf32> to vector<16xf32>
        %mul3A_72 = arith.mulf %get3A_71, %get3A_38 : vector<16xf32>
        %swap3A_73 = arith.index_cast %scan3A_35 : i32 to index
        %swap3A_74 = arith.constant 48 : index
        %swap3A_75 = tpu.vector_load %arg12[%swap3A_73, %swap3A_74] {strides = array<i32>} : memref<80x128xf32, #tpu.memory_space<vmem>>, vector<1x16xf32>,
        %swap3A_76 = vector.shape_cast %swap3A_75 : vector<1x16xf32> to vector<16xf32>
        %swap3A_77 = vector.shape_cast %mul3A_72 : vector<16xf32> to vector<1x16xf32>
        tpu.vector_store %arg12[%swap3A_73, %swap3A_74], %swap3A_77 {strides = array<i32>} : memref<80x128xf32, #tpu.memory_space<vmem>>, vector<1x16xf32>,
        %get3A_78 = arith.index_cast %scan3A_35 : i32 to index
        %get3A_79 = arith.constant 64 : index
        %get3A_80 = tpu.vector_load %arg12[%get3A_78, %get3A_79] {strides = array<i32>} : memref<80x128xf32, #tpu.memory_space<vmem>>, vector<1x16xf32>,
        %get3A_81 = vector.shape_cast %get3A_80 : vector<1x16xf32> to vector<16xf32>
        %mul3A_82 = arith.mulf %get3A_81, %get3A_38 : vector<16xf32>
        %swap3A_83 = arith.index_cast %scan3A_35 : i32 to index
        %swap3A_84 = arith.constant 64 : index
        %swap3A_85 = tpu.vector_load %arg12[%swap3A_83, %swap3A_84] {strides = array<i32>} : memref<80x128xf32, #tpu.memory_space<vmem>>, vector<1x16xf32>,
        %swap3A_86 = vector.shape_cast %swap3A_85 : vector<1x16xf32> to vector<16xf32>
        %swap3A_87 = vector.shape_cast %mul3A_82 : vector<16xf32> to vector<1x16xf32>
        tpu.vector_store %arg12[%swap3A_83, %swap3A_84], %swap3A_87 {strides = array<i32>} : memref<80x128xf32, #tpu.memory_space<vmem>>, vector<1x16xf32>,
        %get3A_88 = arith.index_cast %scan3A_35 : i32 to index
        %get3A_89 = arith.constant 80 : index
        %get3A_90 = tpu.vector_load %arg12[%get3A_88, %get3A_89] {strides = array<i32>} : memref<80x128xf32, #tpu.memory_space<vmem>>, vector<1x16xf32>,
        %get3A_91 = vector.shape_cast %get3A_90 : vector<1x16xf32> to vector<16xf32>
        %mul3A_92 = arith.mulf %get3A_91, %get3A_38 : vector<16xf32>
        %swap3A_93 = arith.index_cast %scan3A_35 : i32 to index
        %swap3A_94 = arith.constant 80 : index
        %swap3A_95 = tpu.vector_load %arg12[%swap3A_93, %swap3A_94] {strides = array<i32>} : memref<80x128xf32, #tpu.memory_space<vmem>>, vector<1x16xf32>,
        %swap3A_96 = vector.shape_cast %swap3A_95 : vector<1x16xf32> to vector<16xf32>
        %swap3A_97 = vector.shape_cast %mul3A_92 : vector<16xf32> to vector<1x16xf32>
        tpu.vector_store %arg12[%swap3A_93, %swap3A_94], %swap3A_97 {strides = array<i32>} : memref<80x128xf32, #tpu.memory_space<vmem>>, vector<1x16xf32>,
        %get3A_98 = arith.index_cast %scan3A_35 : i32 to index
        %get3A_99 = arith.constant 96 : index
        %get3A_100 = tpu.vector_load %arg12[%get3A_98, %get3A_99] {strides = array<i32>} : memref<80x128xf32, #tpu.memory_space<vmem>>, vector<1x16xf32>,
        %get3A_101 = vector.shape_cast %get3A_100 : vector<1x16xf32> to vector<16xf32>
        %mul3A_102 = arith.mulf %get3A_101, %get3A_38 : vector<16xf32>
        %swap3A_103 = arith.index_cast %scan3A_35 : i32 to index
        %swap3A_104 = arith.constant 96 : index
        %swap3A_105 = tpu.vector_load %arg12[%swap3A_103, %swap3A_104] {strides = array<i32>} : memref<80x128xf32, #tpu.memory_space<vmem>>, vector<1x16xf32>,
        %swap3A_106 = vector.shape_cast %swap3A_105 : vector<1x16xf32> to vector<16xf32>
        %swap3A_107 = vector.shape_cast %mul3A_102 : vector<16xf32> to vector<1x16xf32>
        tpu.vector_store %arg12[%swap3A_103, %swap3A_104], %swap3A_107 {strides = array<i32>} : memref<80x128xf32, #tpu.memory_space<vmem>>, vector<1x16xf32>,
        %get3A_108 = arith.index_cast %scan3A_35 : i32 to index
        %get3A_109 = arith.constant 112 : index
        %get3A_110 = tpu.vector_load %arg12[%get3A_108, %get3A_109] {strides = array<i32>} : memref<80x128xf32, #tpu.memory_space<vmem>>, vector<1x16xf32>,
        %get3A_111 = vector.shape_cast %get3A_110 : vector<1x16xf32> to vector<16xf32>
        %mul3A_112 = arith.mulf %get3A_111, %get3A_38 : vector<16xf32>
        %swap3A_113 = arith.index_cast %scan3A_35 : i32 to index
        %swap3A_114 = arith.constant 112 : index
        %swap3A_115 = tpu.vector_load %arg12[%swap3A_113, %swap3A_114] {strides = array<i32>} : memref<80x128xf32, #tpu.memory_space<vmem>>, vector<1x16xf32>,
        %swap3A_116 = vector.shape_cast %swap3A_115 : vector<1x16xf32> to vector<16xf32>
        %swap3A_117 = vector.shape_cast %mul3A_112 : vector<16xf32> to vector<1x16xf32>
        tpu.vector_store %arg12[%swap3A_113, %swap3A_114], %swap3A_117 {strides = array<i32>} : memref<80x128xf32, #tpu.memory_space<vmem>>, vector<1x16xf32>,
      }
      %scan3A_33 = arith.constant 80 : i32
      %run_scoped3A_34 = arith.constant 0 : i32
      "tpu.region"() ({
        %run_scoped3A_35 = tpu.sem_alloc : memref<!tpu.dma_semaphore, #tpu.memory_space<semaphore_mem>>
        %dma_start3A_36 = arith.constant 0 : i32
        %dma_start3A_37 = tpu.memref_slice %arg10[%run_scoped3A_34, %dma_start3A_36] : memref<1x80xi32, #tpu.memory_space<vmem>> -> memref<1x80xi32, #tpu.memory_space<vmem>>
        %dma_start3A_38 = tpu.memref_squeeze %dma_start3A_37 : memref<1x80xi32, #tpu.memory_space<vmem>> -> memref<80xi32, #tpu.memory_space<vmem>>
        %dma_start3A_39 = arith.constant 0 : i32
        %dma_start3A_40 = arith.constant 0 : i32
        %dma_start3A_41 = tpu.memref_slice %arg8[%dma_start3A_39, %dma_start3A_40] : memref<10240x128xf32, #tpu.memory_space<vmem_shared>> -> memref<10240x128xf32, #tpu.memory_space<vmem_shared>>
        tpu.enqueue_indirect_dma source(%arg12 : memref<80x128xf32, #tpu.memory_space<vmem>>) target(%dma_start3A_41 : memref<10240x128xf32, #tpu.memory_space<vmem_shared>>) offsets(%dma_start3A_38 : memref<80xi32, #tpu.memory_space<vmem>>) semaphore(%run_scoped3A_35 : memref<!tpu.dma_semaphore, #tpu.memory_space<semaphore_mem>>) {add = true}
        %dma_wait3A_42 = arith.constant 0 : i32
        %dma_wait3A_43 = tpu.memref_slice %arg10[%run_scoped3A_34, %dma_wait3A_42] : memref<1x80xi32, #tpu.memory_space<vmem>> -> memref<1x80xi32, #tpu.memory_space<vmem>>
        %dma_wait3A_44 = tpu.memref_squeeze %dma_wait3A_43 : memref<1x80xi32, #tpu.memory_space<vmem>> -> memref<80xi32, #tpu.memory_space<vmem>>
        %dma_wait3A_45 = arith.constant 0 : i32
        %dma_wait3A_46 = arith.constant 0 : i32
        %dma_wait3A_47 = tpu.memref_slice %arg8[%dma_wait3A_45, %dma_wait3A_46] : memref<10240x128xf32, #tpu.memory_space<vmem_shared>> -> memref<10240x128xf32, #tpu.memory_space<vmem_shared>>
        tpu.wait_indirect_dma semaphore(%run_scoped3A_35 : memref<!tpu.dma_semaphore, #tpu.memory_space<semaphore_mem>>) src(%arg12 : memref<80x128xf32, #tpu.memory_space<vmem>>) dst(%dma_wait3A_47 : memref<10240x128xf32, #tpu.memory_space<vmem_shared>>)
        tpu.yield
      }) : () -> ()
    }
    %scan3A_9 = arith.constant 125 : i32
    %barrier3A_10 = arith.constant 0 : index
    tpu.barrier barrier_id(%barrier3A_10)
    "tpu.region"() ({
      %run_scoped3A = tpu.sem_alloc : memref<!tpu.dma_semaphore, #tpu.memory_space<semaphore_mem>>
      %dma_start3A = arith.constant 0 : i32
      %dma_start3A_11 = tpu.memref_slice %arg7[%arg0, %mul3A_0, %dma_start3A] : memref<2x10240x128xf32, #tpu.memory_space<hbm>> -> memref<1x640x128xf32, #tpu.memory_space<hbm>>
      %dma_start3A_12 = tpu.memref_squeeze %dma_start3A_11 : memref<1x640x128xf32, #tpu.memory_space<hbm>> -> memref<640x128xf32, #tpu.memory_space<hbm>>
      %dma_start3A_13 = arith.constant 0 : i32
      %dma_start3A_14 = tpu.memref_slice %arg8[%mul3A_0, %dma_start3A_13] : memref<10240x128xf32, #tpu.memory_space<vmem_shared>> -> memref<640x128xf32, #tpu.memory_space<vmem_shared>>
      tpu.enqueue_dma source(%dma_start3A_14 : memref<640x128xf32, #tpu.memory_space<vmem_shared>>) target(%dma_start3A_12 : memref<640x128xf32, #tpu.memory_space<hbm>>) target_semaphore(%run_scoped3A : memref<!tpu.dma_semaphore, #tpu.memory_space<semaphore_mem>>)
      %dma_wait3A = arith.constant 0 : i32
      %dma_wait3A_15 = tpu.memref_slice %arg7[%arg0, %mul3A_0, %dma_wait3A] : memref<2x10240x128xf32, #tpu.memory_space<hbm>> -> memref<1x640x128xf32, #tpu.memory_space<hbm>>
      %dma_wait3A_16 = tpu.memref_squeeze %dma_wait3A_15 : memref<1x640x128xf32, #tpu.memory_space<hbm>> -> memref<640x128xf32, #tpu.memory_space<hbm>>
      %dma_wait3A_17 = arith.constant 0 : i32
      %dma_wait3A_18 = tpu.memref_slice %arg8[%mul3A_0, %dma_wait3A_17] : memref<10240x128xf32, #tpu.memory_space<vmem_shared>> -> memref<640x128xf32, #tpu.memory_space<vmem_shared>>
      tpu.wait_dma2 semaphore(%run_scoped3A : memref<!tpu.dma_semaphore, #tpu.memory_space<semaphore_mem>>) src(%dma_wait3A_18 : memref<640x128xf32, #tpu.memory_space<vmem_shared>>) dst(%dma_wait3A_16 : memref<640x128xf32, #tpu.memory_space<hbm>>)
      tpu.yield
    }) : () -> ()
    return
  }
}

module attributes {stable_mosaic.version = 14 : i64} {
  func.func @_mm1_body(%arg0: i32, %arg1: memref<1000x128xf32, #tpu.memory_space<vmem>>, %arg2: memref<128x128xf32, #tpu.memory_space<vmem>>, %arg3: memref<1000x128xf32, #tpu.memory_space<vmem>>) attributes {dimension_semantics = [#tpu.dimension_semantics<arbitrary>], iteration_bounds = array<i64: 10>, scalar_prefetch = 0 : i64, scratch_operands = 0 : i64, tpu.core_type = #tpu.core_type<tc>, window_params = [{transform_indices = @transform_0, window_bounds = array<i64: 1000, 128>}, {pipeline_mode = #tpu.pipeline_mode<synchronous>, transform_indices = @transform_1, window_bounds = array<i64: 128, 128>}, {transform_indices = @transform_2, window_bounds = array<i64: 1000, 128>}]} {
    %get3A = arith.constant 0 : index
    %get3A_0 = arith.constant 0 : index
    %get3A_1 = vector.load %arg1[%get3A, %get3A_0] : memref<1000x128xf32, #tpu.memory_space<vmem>>, vector<1000x128xf32>
    %get3A_2 = arith.constant 0 : index
    %get3A_3 = arith.constant 0 : index
    %get3A_4 = vector.load %arg2[%get3A_2, %get3A_3] : memref<128x128xf32, #tpu.memory_space<vmem>>, vector<128x128xf32>
    %dot_general3A = arith.constant dense<0.000000e+00> : vector<1000x128xf32>
    %dot_general3A_5 = tpu.matmul %get3A_1, %get3A_4, %dot_general3A {dimension_numbers = #tpu.dot_dimension_numbers<[1], [0], [0], [1], [0, 0, 1, 1], [], []>, transpose_lhs_hint = false} : vector<1000x128xf32>, vector<128x128xf32>, vector<1000x128xf32> -> vector<1000x128xf32>
    %swap3A = arith.constant 0 : index
    %swap3A_6 = arith.constant 0 : index
    %swap3A_7 = vector.load %arg3[%swap3A, %swap3A_6] : memref<1000x128xf32, #tpu.memory_space<vmem>>, vector<1000x128xf32>
    tpu.vector_store %arg3[%swap3A, %swap3A_6], %dot_general3A_5 {strides = array<i32>} : memref<1000x128xf32, #tpu.memory_space<vmem>>, vector<1000x128xf32>,
    return
  }
  func.func @transform_0(%arg0: i32) -> (i32, i32) {
    %c0_i32 = arith.constant 0 : i32
    %c0_i32_0 = arith.constant 0 : i32
    return %arg0, %c0_i32 : i32, i32
  }
  func.func @transform_1(%arg0: i32) -> (i32, i32) {
    %c0_i32 = arith.constant 0 : i32
    %c0_i32_0 = arith.constant 0 : i32
    %c0_i32_1 = arith.constant 0 : i32
    return %c0_i32, %c0_i32_0 : i32, i32
  }
  func.func @transform_2(%arg0: i32) -> (i32, i32) {
    %c0_i32 = arith.constant 0 : i32
    %c0_i32_0 = arith.constant 0 : i32
    return %arg0, %c0_i32 : i32, i32
  }
}

module attributes {stable_mosaic.version = 14 : i64} {
  func.func @_mm2_body(%arg0: i32, %arg1: memref<2x1000x128xf32, #tpu.memory_space<vmem>>, %arg2: memref<128x64xf32, #tpu.memory_space<vmem>>, %arg3: memref<1000x128xf32, #tpu.memory_space<vmem>>) attributes {dimension_semantics = [#tpu.dimension_semantics<arbitrary>], iteration_bounds = array<i64: 10>, scalar_prefetch = 0 : i64, scratch_operands = 0 : i64, tpu.core_type = #tpu.core_type<tc>, window_params = [{transform_indices = @transform_0, window_bounds = array<i64: 2, 1000, 128>}, {pipeline_mode = #tpu.pipeline_mode<synchronous>, transform_indices = @transform_1, window_bounds = array<i64: 128, 64>}, {transform_indices = @transform_2, window_bounds = array<i64: 1000, 128>}]} {
    %get3A = arith.constant 0 : index
    %get3A_0 = arith.constant 0 : index
    %get3A_1 = arith.constant 0 : index
    %get3A_2 = vector.load %arg1[%get3A, %get3A_0, %get3A_1] : memref<2x1000x128xf32, #tpu.memory_space<vmem>>, vector<1x1000x128xf32>
    %get3A_3 = vector.shape_cast %get3A_2 : vector<1x1000x128xf32> to vector<1000x128xf32>
    %get3A_4 = arith.constant 1 : index
    %get3A_5 = arith.constant 0 : index
    %get3A_6 = arith.constant 0 : index
    %get3A_7 = vector.load %arg1[%get3A_4, %get3A_5, %get3A_6] : memref<2x1000x128xf32, #tpu.memory_space<vmem>>, vector<1x1000x128xf32>
    %get3A_8 = vector.shape_cast %get3A_7 : vector<1x1000x128xf32> to vector<1000x128xf32>
    %add3A = arith.addf %get3A_3, %get3A_8 : vector<1000x128xf32>
    %max3A = arith.constant 0.000000e+00 : f32
    %max3A_9 = vector.broadcast %max3A : f32 to vector<1000x128xf32>
    %max3A_10 = arith.maximumf %add3A, %max3A_9 : vector<1000x128xf32>
    %get3A_11 = arith.constant 0 : index
    %get3A_12 = arith.constant 0 : index
    %get3A_13 = vector.load %arg2[%get3A_11, %get3A_12] : memref<128x64xf32, #tpu.memory_space<vmem>>, vector<128x64xf32>
    %dot_general3A = arith.constant dense<0.000000e+00> : vector<1000x64xf32>
    %dot_general3A_14 = tpu.matmul %max3A_10, %get3A_13, %dot_general3A {dimension_numbers = #tpu.dot_dimension_numbers<[1], [0], [0], [1], [0, 0, 1, 1], [], []>, transpose_lhs_hint = false} : vector<1000x128xf32>, vector<128x64xf32>, vector<1000x64xf32> -> vector<1000x64xf32>
    %broadcast_in_dim3A = arith.constant 0.000000e+00 : f32
    %broadcast_in_dim3A_15 = vector.broadcast %broadcast_in_dim3A : f32 to vector<1000x64xf32>
    %concatenate3A = tpu.concatenate %dot_general3A_14, %broadcast_in_dim3A_15 in 1 : vector<1000x64xf32>, vector<1000x64xf32> -> vector<1000x128xf32>
    %swap3A = arith.constant 0 : index
    %swap3A_16 = arith.constant 0 : index
    %swap3A_17 = vector.load %arg3[%swap3A, %swap3A_16] : memref<1000x128xf32, #tpu.memory_space<vmem>>, vector<1000x128xf32>
    tpu.vector_store %arg3[%swap3A, %swap3A_16], %concatenate3A {strides = array<i32>} : memref<1000x128xf32, #tpu.memory_space<vmem>>, vector<1000x128xf32>,
    return
  }
  func.func @transform_0(%arg0: i32) -> (i32, i32, i32) {
    %c0_i32 = arith.constant 0 : i32
    %c0_i32_0 = arith.constant 0 : i32
    %c0_i32_1 = arith.constant 0 : i32
    return %c0_i32, %arg0, %c0_i32_0 : i32, i32, i32
  }
  func.func @transform_1(%arg0: i32) -> (i32, i32) {
    %c0_i32 = arith.constant 0 : i32
    %c0_i32_0 = arith.constant 0 : i32
    %c0_i32_1 = arith.constant 0 : i32
    return %c0_i32, %c0_i32_0 : i32, i32
  }
  func.func @transform_2(%arg0: i32) -> (i32, i32) {
    %c0_i32 = arith.constant 0 : i32
    %c0_i32_0 = arith.constant 0 : i32
    return %arg0, %c0_i32 : i32, i32
  }
}

module attributes {stable_mosaic.version = 14 : i64} {
  func.func @_softmax_body(%arg0: i32, %arg1: memref<2x1000x128xf32, #tpu.memory_space<vmem>>, %arg2: memref<1000x64xf32, #tpu.memory_space<vmem>>) attributes {dimension_semantics = [#tpu.dimension_semantics<arbitrary>], iteration_bounds = array<i64: 10>, scalar_prefetch = 0 : i64, scratch_operands = 0 : i64, tpu.core_type = #tpu.core_type<tc>, window_params = [{transform_indices = @transform_0, window_bounds = array<i64: 2, 1000, 128>}, {transform_indices = @transform_1, window_bounds = array<i64: 1000, 64>}]} {
    %get3A = arith.constant 0 : index
    %get3A_0 = arith.constant 0 : index
    %get3A_1 = arith.constant 0 : index
    %get3A_2 = vector.load %arg1[%get3A, %get3A_0, %get3A_1] : memref<2x1000x128xf32, #tpu.memory_space<vmem>>, vector<1x1000x64xf32>
    %get3A_3 = vector.shape_cast %get3A_2 : vector<1x1000x64xf32> to vector<1000x64xf32>
    %get3A_4 = arith.constant 1 : index
    %get3A_5 = arith.constant 0 : index
    %get3A_6 = arith.constant 0 : index
    %get3A_7 = vector.load %arg1[%get3A_4, %get3A_5, %get3A_6] : memref<2x1000x128xf32, #tpu.memory_space<vmem>>, vector<1x1000x64xf32>
    %get3A_8 = vector.shape_cast %get3A_7 : vector<1x1000x64xf32> to vector<1000x64xf32>
    %add3A = arith.addf %get3A_3, %get3A_8 : vector<1000x64xf32>
    %reduce_max3A = arith.constant dense<0xFF800000> : vector<1000xf32>
    %reduce_max3A_9 = vector.multi_reduction <maximumf>, %add3A, %reduce_max3A [1] : vector<1000x64xf32> to vector<1000xf32>
    %broadcast_in_dim3A = vector.shape_cast %reduce_max3A_9 : vector<1000xf32> to vector<1000x1xf32>
    %sub3A = vector.broadcast %broadcast_in_dim3A : vector<1000x1xf32> to vector<1000x64xf32>
    %sub3A_10 = arith.subf %add3A, %sub3A : vector<1000x64xf32>
    %exp3A = math.exp %sub3A_10 : vector<1000x64xf32>
    %reduce_sum3A = arith.constant dense<0.000000e+00> : vector<1000xf32>
    %reduce_sum3A_11 = vector.multi_reduction <add>, %exp3A, %reduce_sum3A [1] : vector<1000x64xf32> to vector<1000xf32>
    %broadcast_in_dim3A_12 = vector.shape_cast %reduce_sum3A_11 : vector<1000xf32> to vector<1000x1xf32>
    %div3A = vector.broadcast %broadcast_in_dim3A_12 : vector<1000x1xf32> to vector<1000x64xf32>
    %div3A_13 = arith.divf %exp3A, %div3A : vector<1000x64xf32>
    %swap3A = arith.constant 0 : index
    %swap3A_14 = arith.constant 0 : index
    %swap3A_15 = vector.load %arg2[%swap3A, %swap3A_14] : memref<1000x64xf32, #tpu.memory_space<vmem>>, vector<1000x64xf32>
    tpu.vector_store %arg2[%swap3A, %swap3A_14], %div3A_13 {strides = array<i32>} : memref<1000x64xf32, #tpu.memory_space<vmem>>, vector<1000x64xf32>,
    return
  }
  func.func @transform_0(%arg0: i32) -> (i32, i32, i32) {
    %c0_i32 = arith.constant 0 : i32
    %c0_i32_0 = arith.constant 0 : i32
    %c0_i32_1 = arith.constant 0 : i32
    return %c0_i32, %arg0, %c0_i32_0 : i32, i32, i32
  }
  func.func @transform_1(%arg0: i32) -> (i32, i32) {
    %c0_i32 = arith.constant 0 : i32
    %c0_i32_0 = arith.constant 0 : i32
    return %arg0, %c0_i32 : i32, i32
  }
}

</mosaic_0001>

<sc_bundles>
// kernel: kernel.10.cloned.1.call-start
scs
__scs_entry_jumppad:
0x0: {  	(pc) =	sbr.rel $0x88, $3  }
0x1: {  	(tag) =	ssettag $0x0;
	lr =	simm.s32 $0x1  }
0x2: {  	[smem:$0x3F9C] =	sst lr;
	_ =	strace $0xD0000000  }
0x3: {  	_ = 	snop  }
0x4: {  	_ = 	snop  }
0x5: {  	_ = 	snop  }
0x6: {  	_ = 	snop  }
0x7: {  	_ = 	snop  }
__scs_overlays_trampoline_lowered:
0x8: {  	[smem:$0x3FAB] =	sst s0  }
0x9: {  	[smem:$0x3FAC] =	sst s1  }
0xa: {  	[smem:$0x3FAD] =	sst s2  }
0xb: {  	[smem:$0x3FAE] =	sst s3  }
0xc: {  	[smem:$0x3FAF] =	sst s4  }
0xd: {  	[smem:$0x3FB0] =	sst s5  }
0xe: {  	[smem:$0x3FB1] =	sst s6  }
0xf: {  	[smem:$0x3FB2] =	sst s7  }
0x10: {  	[smem:$0x3FB3] =	sst s8  }
0x11: {  	[smem:$0x3FB4] =	sst s9;
	s0 =	simm.s32 @!p0 $0x0  }
0x12: {  	s1 =	sld [smem:$0x3F9A];
	s0 =	simm.s32 @p0 $0x1  }
0x13: {  	[smem:$0x3FB5] =	sst s0;
	s0 =	simm.s32 @!p1 $0x0  }
0x14: {  	s2 =	sld [smem:$0x3F99];
	s0 =	simm.s32 @p1 $0x1  }
0x15: {  	[smem:$0x3FB6] =	sst s0;
	s0 =	simm.s32 @!p2 $0x0  }
0x16: {  	s3 =	sld [smem:$0x3FDB];
	s0 =	simm.s32 @p2 $0x1  }
0x17: {  	s4 =	simm.s32 $0x1BF5;
	[smem:$0x3FB8] =	sst s0  }
0x18: {  	s0 =	sld [smem:$0x3F9B];
	_ =	swait.ge [sflag:s4], $0x0  }
0x19: {  	s7 =	sld [smem:$0x3F9C]  }
0x1a: {  	s8 =	sadd.s32 $0xFFFFE003, lr  }
0x1b: {  	s9 =	sadd.s32 $0xFFFFFEF7, lr;
	s5 =	simm.s32 $0xFFFFFFFF;
	p2 =	slt.u32 s8, $0xFFFFF086  }
0x1c: {  	p1 =	slt.u32 s9, $0xF7A;
	s5 =	simm.s32 @!p2 $0x0  }
0x1d: {  	s5 =	simm.s32 @p1 $0x1;
	p0 =	seq.s32 s7, s2  }
0x1e: {  	s7 =	smul.u32 @!p0 $0xF7A, s2;
	p2 =	seq.s32 @!p0 s5, $0x0  }
0x1f: {  	s9 =	smul.u32 $0xF7A, s1;
	s8 =	simm.s32 @!p0 $0x1BF5;
	p2 =	por !p2, p0  }
0x20: {  	[sflag:s8] =	ssyncset.s32 @!p0 $0xFFFFF086;
	s6 =	sadd.s32 @!p0 s3, s7;
	s7 =	simm.s32 @!p0 $0x108  }
0x21: {  	s3 =	sadd.s32 s3, s9;
	s6 =	sadd.s32 @!p0 $0x88, s6;
	s7 =	simm.s32 @p2 $0x1082  }
0x22: {  	[simem:s7], [sflag:s8] =	dma.local @!p0 [hbm:s6], $0xF7A  }
0x23: {  	s9 =	sor.u32 $0xD0000000, s2;
	s6 =	simm.s32 $0x108;
	_ =	swait.ge @!p0 [sflag:s8], $0x0  }
0x24: {  	s3 =	sadd.s32 $0x88, s3;
	s6 =	simm.s32 @!p1 $0x1082;
	[sflag:s4] =	ssyncset.s32 $0xFFFFF086  }
0x25: {  	[simem:s6], [sflag:s4] =	dma.local [hbm:s3], $0xF7A  }
0x26: {  	[smem:$0x3F9C] =	sst s1;
	(tag) =	ssettag s2;
	_ =	strace s9  }
0x27: {  	s1 =	sld [smem:$0x3FAC]  }
0x28: {  	s2 =	sld [smem:$0x3FAD]  }
0x29: {  	s4 =	sld [smem:$0x3FAF]  }
0x2a: {  	p0 =	seq.s32 s5, $0x0;
	s5 =	sld [smem:$0x3FB0]  }
0x2b: {  	s6 =	sld [smem:$0x3FB1]  }
0x2c: {  	s7 =	sld [smem:$0x3FB2]  }
0x2d: {  	s3 =	simm.s32 $0x108;
	s8 =	sld [smem:$0x3FB3]  }
0x2e: {  	s3 =	simm.s32 @!p0 $0x1082;
	s9 =	sld [smem:$0x3FB4]  }
0x2f: {  	lr =	sadd.s32 s0, s3;
	s0 =	sld [smem:$0x3FAB]  }
0x30: {  	s3 =	sld [smem:$0x3FAE]  }
0x31: {  	[smem:$0x3FB7] =	sst s10  }
0x32: {  	s10 =	sld [smem:$0x3FB5];
	_ =	sdelay $0x3  }
0x33: {  	p0 =	seq.s32 s10, $0x1;
	s10 =	sld [smem:$0x3FB7];
	_ =	sdelay $0x3  }
0x34: {  	[smem:$0x3FB7] =	sst s10  }
0x35: {  	s10 =	sld [smem:$0x3FB6];
	_ =	sdelay $0x3  }
0x36: {  	p1 =	seq.s32 s10, $0x1;
	s10 =	sld [smem:$0x3FB7];
	_ =	sdelay $0x3  }
0x37: {  	[smem:$0x3FB7] =	sst s10  }
0x38: {  	s10 =	sld [smem:$0x3FB8]  }
0x39: {  	_ = 	snop;
	(pc) =	sbr.ind lr, $3  }
0x3a: {  	_ = 	snop  }
0x3b: {  	_ = 	snop  }
0x3c: {  	p2 =	seq.s32 s10, $0x1;
	s10 =	sld [smem:$0x3FB7]  }
0x3d: {  	_ =	shalt  }
0x3e: {  	_ =	shalt  }
0x3f: {  	_ =	shalt  }
0x40: {  	_ =	shalt  }
0x41: {  	_ =	shalt  }
0x42: {  	_ =	shalt  }
0x43: {  	_ =	shalt  }
0x44: {  	_ =	shalt  }
0x45: {  	_ =	shalt  }
0x46: {  	_ =	shalt  }
0x47: {  	_ =	shalt  }
0x48: {  	_ =	shalt  }
0x49: {  	_ =	shalt  }
0x4a: {  	_ =	shalt  }
0x4b: {  	_ =	shalt  }
0x4c: {  	_ =	shalt  }
0x4d: {  	_ =	shalt  }
0x4e: {  	_ =	shalt  }
0x4f: {  	_ =	shalt  }
0x50: {  	_ =	shalt  }
0x51: {  	_ =	shalt  }
0x52: {  	_ =	shalt  }
0x53: {  	_ =	shalt  }
0x54: {  	_ =	shalt  }
0x55: {  	_ =	shalt  }
0x56: {  	_ =	shalt  }
0x57: {  	_ =	shalt  }
0x58: {  	_ =	shalt  }
0x59: {  	_ =	shalt  }
0x5a: {  	_ =	shalt  }
0x5b: {  	_ =	shalt  }
0x5c: {  	_ =	shalt  }
0x5d: {  	_ =	shalt  }
0x5e: {  	_ =	shalt  }
0x5f: {  	_ =	shalt  }
0x60: {  	_ =	shalt  }
0x61: {  	_ =	shalt  }
0x62: {  	_ =	shalt  }
0x63: {  	_ =	shalt  }
0x64: {  	_ =	shalt  }
0x65: {  	_ =	shalt  }
0x66: {  	_ =	shalt  }
0x67: {  	_ =	shalt  }
0x68: {  	_ =	shalt  }
0x69: {  	_ =	shalt  }
0x6a: {  	_ =	shalt  }
0x6b: {  	_ =	shalt  }
0x6c: {  	_ =	shalt  }
0x6d: {  	_ =	shalt  }
0x6e: {  	_ =	shalt  }
0x6f: {  	_ =	shalt  }
0x70: {  	_ =	shalt  }
0x71: {  	_ =	shalt  }
0x72: {  	_ =	shalt  }
0x73: {  	_ =	shalt  }
0x74: {  	_ =	shalt  }
0x75: {  	_ =	shalt  }
0x76: {  	_ =	shalt  }
0x77: {  	_ =	shalt  }
0x78: {  	_ =	shalt  }
0x79: {  	_ =	shalt  }
0x7a: {  	_ =	shalt  }
0x7b: {  	_ =	shalt  }
0x7c: {  	_ =	shalt  }
0x7d: {  	_ =	shalt  }
0x7e: {  	_ =	shalt  }
0x7f: {  	_ =	shalt  }
0x80: {  	_ =	shalt  }
0x81: {  	_ =	shalt  }
0x82: {  	_ =	shalt  }
0x83: {  	_ =	shalt  }
0x84: {  	_ =	shalt  }
0x85: {  	_ =	shalt  }
0x86: {  	_ =	shalt  }
0x87: {  	_ =	shalt  }
.Lfunc_end0:
.L_simem_size_0:
called_computation.1_lowered:
.L_overlay_start_0:
0x88: {  	s2 =	sld [smem:$0x3FD9]  }
0x89: {  	s3 =	sld [smem:$0x3FFE];
	_ =	sdelay $0x1  }
0x8a: {  	s1 =	srdreg.scid  }
0x8b: {  	s0 =	sand.u32 $0x1, s1  }
0x8c: {  	s17 =	sshll.u32 s0, $0xA;
	s2 =	sadd.s32 s3, s2  }
0x8d: {  	s2 =	sadd.s32 s2, s17  }
0x8e: {  	[smem:$0x3FC3] =	sst s2  }
0x8f: {  	_ = 	snop  }
0x90: {  	s2 =	sld [smem:$0x3FD0];
	(tm) =	ssettm $0x1  }
0x91: {  	s18 =	sld [smem:$0x3FFB];
	_ =	sdelay $0x3  }
0x92: {  	_ =	strace s18  }
0x93: {  	s3 =	sld [smem:$0x3FFC];
	_ =	sdelay $0x3  }
0x94: {  	_ =	strace s3  }
0x95: {  	s3 =	sld [smem:$0x3FFD];
	_ =	sdelay $0x3  }
0x96: {  	_ =	strace s3  }
0x97: {  	_ =	strace $0x8FFFFFFF  }
0x98: {  	s19 =	sld [smem:$0x3FDB];
	_ =	sdelay $0x1  }
0x99: {  	s4 =	simm.s32 $_scs_section_size  }
0x9a: {  	s5 =	simm.s32 $_size__tile_overlayer_lowered;
	s6 =	simm.s32 $_tile_overlayer_lowered  }
0x9b: {  	s22 =	simm.s32 $0x1BFF;
	s21 =	sshll.u32 s6, $0x1;
	s3 =	sadd.s32 s4, s19  }
0x9c: {  	s7 =	simm.s32 $0x0;
	s20 =	sshll.u32 s5, $0x1;
	s5 =	sadd.s32 s21, s3  }
0x9d: {  	[timem:s7], [sflag:s22] =	dma.local [hbm:s5], s20  }
0x9e: {  	_ =	swait.ge [sflag:s22], s20  }
0x9f: {  	s4 =	ssub.s32 $0x0, s20;
	[sflag:s22] =	ssyncset.done $0x0  }
0xa0: {  	[sflag:s22] =	ssyncadd.s32 s4;
	_ =	sdelay $0x1  }
0xa1: {  	s23 =	simm.s32 $0x1B8B  }
0xa2: {  	_ =	swait.ge [sflag:s23], $0x1  }
0xa3: {  	[sflag:s23] =	ssyncset.done $0x0  }
0xa4: {  	s25 =	simm.s32 $0x1B8E;
	s24 =	sld [smem:$0x3FFE];
	[sflag:s23] =	ssyncadd.s32 $0xFFFFFFFF  }
0xa5: {  	s26 =	simm.s32 $execute0_lowered;
	[smem:$0x3FD2] =	sst s25  }
0xa6: {  	s5 =	sshll.u32 s26, $0x1;
	_ =	strace $0x80000049;
	[dreg:$0x1] =	wrdreg $0xFFFFFFFF  }
0xa7: {  	s28 =	simm.s32 $_size_execute0_lowered;
	s3 =	sadd.s32 s3, s5;
	[dreg:$0x0] =	wrdreg $0x0  }
0xa8: {  	s5 =	sshll.u32 s28, $0x1;
	[dreg:$0x2] =	wrdreg s3  }
0xa9: {  	[dreg:$0x3] =	wrdreg s5  }
0xaa: {  	[dreg:$0x4] =	wrdreg $0xC0  }
0xab: {  	_ =	task [dreg:s7], $0x5FFFF  }
0xac: {  	[dreg:$0x1] =	wrdreg $0xFFFFFFFF  }
0xad: {  	[dreg:$0x0] =	wrdreg $0x60  }
0xae: {  	[dreg:$0x2] =	wrdreg s24  }
0xaf: {  	[dreg:$0x3] =	wrdreg s2  }
0xb0: {  	[dreg:$0x4] =	wrdreg $0x0  }
0xb1: {  	[dreg:$0x5] =	wrdreg $0x9  }
0xb2: {  	_ =	task.clear_ibuf [dreg:s7], $0x6FFFF;
	_ =	strace $0x90000049  }
0xb3: {  	s29 =	simm.s32 $0x9;
	_ =	strace $0x8000004B  }
0xb4: {  	_ =	swait.ge [sflag:s29], $0x1  }
0xb5: {  	[sflag:s29] =	ssyncadd.s32 $0xFFFFFFFF  }
0xb6: {  	_ =	strace $0x9000004B  }
0xb7: {  	_ =	sfence  }
0xb8: {  	s30 =	sld [smem:$0x0];
	_ =	sdelay $0x2  }
0xb9: {  	s31 =	sshll.u32 s1, $0xD;
	s1 =	sshrl.u32 s1, $0x2  }
0xba: {  	s3 =	sand.u32 $0x4000, s31;
	s1 =	sadd.s32 s1, s30  }
0xbb: {  	s0 =	sor.u32 s3, s0;
	s1 =	sshll.u32 s1, $0x11  }
0xbc: {  	s0 =	sor.u32 s1, s0  }
0xbd: {  	s0 =	sadd.s32 $0x8F2B, s0  }
0xbe: {  	[sflag:s0] =	ssyncadd.remote.s32 $0x1  }
0xbf: {  	_ =	sfence.sel $0xFFFF  }
0xc0: {  	[dreg:$0x0] =	wrdreg $0xFFFFFFFF;
	(pc) =	sbr.abs _section_cstart, $3  }
0xc1: {  	[dreg:$0x1] =	wrdreg $0xFFFFFFFF  }
0xc2: {  	_ =	task.clear_ibuf [dreg:s7], $0x2FFFF;
	_ =	strace $0x9FFFFFFF  }
0xc3: {  	(tm) =	ssettm $0x7FFFFFFF  }
tec
execute0_lowered:
.L_overlay_start_1:
0x0: {  	(tag) =	ssettag $0x1  }
0x1: {  	s8 =	rddreg [dreg:$0x0]  }
0x2: {  	s2 =	rddreg [dreg:$0x1]  }
0x3: {  	s3 =	rddreg [dreg:$0x2]  }
0x4: {  	s0 =	rddreg [dreg:$0x3]  }
0x5: {  	s4 =	simm.s32 $0x0;
	s1 =	stileid.u32;
	s5 =	srdreg.scid  }
0x6: {  	s16 =	simm.s32 $0x14080;
	s17 =	simm.s32 $0x14100;
	s18 =	simm.s32 $0x50  }
0x7: {  	s19 =	simm.s32 $0x16900;
	s20 =	simm.s32 $0x1;
	s25 =	simm.s32 $0x0  }
0x8: {  	[smem:$0x7FF] =	sst s4;
	s9 =	smul.u32 $0x14000, s1;
	s10 =	sand.u32 $0x1, s5  }
0x9: {  	s5 =	sadd.s32 $0xAE00, s8;
	s6 =	sadd.s32 $0x1000, s8;
	s13 =	smul.u32 $0x50000, s1  }
0xa: {  	s7 =	sadd.s32 $0x32E00, s8;
	s30 =	smul.u32 $0x2710, s1;
	s31 =	sshll.u32 s1, $0x6  }
0xb: {  	_ =	strace $0x8000004A;
	s11 =	smul.u32 $0x140000, s10;
	s26 =	ssub.s32 $0x2, s10  }
0xc: {  	s10 =	smul.u32 $0x27100, s10;
	s12 =	sshrl.u32 s9, $0x3;
	s28 =	sshrl.u32 s26, $0x1  }
0xd: {  	s29 =	sshrl.u32 s13, $0x2;
	s12 =	sadd.s32 s12, s8;
	s9 =	sadd.s32 s9, s11  }
0xe: {  	s15 =	ssub.s32 s26, s28;
	s13 =	sadd.s32 s29, s3;
	s9 =	sshrl.u32 s9, $0x3  }
0xf: {  	s10 =	sadd.s32 s30, s10;
	s13 =	sshrl.u32 s13, $0x3;
	s14 =	sadd.s32 s9, s8  }
0x10: {  	s8 =	sadd.s32 $0x514E00, s12;
	s9 =	sor.u32 $0x1C02, s31;
	s12 =	smax.u32 s15, $0x1  }
0x11: {  	s15 =	simm.s32 $0x14000;
	s11 =	sadd.s32 $0x53CE00, s14;
	s14 =	simm.s32 $0x2  }
.LBB2_1:
0x12: {  	[spmem:s13], [sflag:s9] =	dma.local [hbm:s8], $0x2800  }
0x13: {  	_ =	swait.ge [sflag:s14], $0x2800  }
0x14: {  	[sflag:s14] =	ssyncset.done $0x0  }
0x15: {  	[sflag:s14] =	ssyncadd.s32 $0xFFFFD800  }
0x16: {  	s21 =	simm.s32 $0x0;
	[bflag:$0x0] =	sbarrier.arrive $0xFFFF  }
.LBB2_2:
0x17: {  	s22 =	smul.u32 $0x50, s21;
	_ =	sdelay $0x1  }
0x18: {  	s22 =	sadd.s32 s22, s10  }
0x19: {  	s23 =	sshrl.u32 s22, $0x3  }
0x1a: {  	s24 =	sadd.s32 s6, s23  }
0x1b: {  	[tilespmem:s15], [sflag:$0x2] =	stream.linear.gather [hbm4b:s24+s25], $0x50, $0x38;
	[tilespmem:$0x19100] =	vst v63  }
0x1c: {  	_ =	swait.ge [sflag:s14], $0x50  }
0x1d: {  	[sflag:s14] =	ssyncset.done $0x0  }
0x1e: {  	s23 =	sadd.s32 s2, s23;
	[sflag:s14] =	ssyncadd.s32 $0xFFFFFFB0  }
0x1f: {  	[tilespmem:s16], [sflag:$0x2] =	stream.linear.gather [hbm4b:s23+s25], $0x50, $0x38;
	[tilespmem:$0x19100] =	vst v63  }
0x20: {  	_ =	swait.ge [sflag:s14], $0x50  }
0x21: {  	s22 =	sshll.u32 s22, $0x4;
	[sflag:s14] =	ssyncset.done $0x0  }
0x22: {  	s22 =	sadd.s32 s7, s22;
	[sflag:s14] =	ssyncadd.s32 $0xFFFFFFB0  }
0x23: {  	[tilespmem:s17], [sflag:$0x2] =	stream.linear.gather [hbm4b:s22+s25], $0x2800, $0x38;
	[tilespmem:$0x19100] =	vst v63  }
0x24: {  	_ =	swait.ge [sflag:s14], $0x2800  }
0x25: {  	[sflag:s14] =	ssyncset.done $0x0  }
0x26: {  	[sflag:s14] =	ssyncadd.s32 $0xFFFFD800  }
0x27: {  	[tilespmem:s19], [sflag:$0x1] =	stream.indirect.gather [hbm4b:s5+s18], $0x80, s15, s18, $0xb8;
	[tilespmem:$0x19100] =	vst v63  }
0x28: {  	_ =	swait.ge [sflag:s20], $0x2800  }
0x29: {  	[sflag:s20] =	ssyncset.done $0x0  }
0x2a: {  	s22 =	simm.s32 $0x0;
	[sflag:s20] =	ssyncadd.s32 $0xFFFFD800  }
0x2b: {  	v0 =	vld [tilespmem:s22+$0x14100]  }
0x2c: {  	v4 =	vld [tilespmem:s22+$0x16900]  }
0x2d: {  	v6 =	vld [tilespmem:s22+$0x16910]  }
0x2e: {  	v5 =	vld [tilespmem:s22+$0x16920]  }
0x2f: {  	v3 =	vld [tilespmem:s22+$0x16930]  }
0x30: {  	v1 =	vld [tilespmem:s22+$0x16940]  }
0x31: {  	v2 =	vld [tilespmem:s22+$0x16950];
	v7 =	vmul.f32 v4, v0  }
0x32: {  	s23 =	simm.s32 $0x200;
	v6 =	vmul.f32 v6, v0;
	v4 =	vld [tilespmem:s22+$0x16960]  }
.LBB2_3:
0x33: {  	s24 =	sshra.s32 s23, $0x2;
	p0 =	sne.s32 s23, $0x9E00;
	[tilespmem:s22+$0x16900] =	vst v7;
	v5 =	vmul.f32 v5, v0;
	v7 =	vld [tilespmem:s22+$0x16970]  }
0x34: {  	v8 =	vld [tilespmem:s24+$0x14100];
	[tilespmem:s22+$0x16910] =	vst v6;
	v3 =	vmul.f32 v3, v0  }
0x35: {  	v6 =	vld [tilespmem:s24+$0x16900];
	[tilespmem:s22+$0x16920] =	vst v5;
	v1 =	vmul.f32 v1, v0  }
0x36: {  	v9 =	vld [tilespmem:s24+$0x16910];
	[tilespmem:s22+$0x16930] =	vst v3;
	v2 =	vmul.f32 v2, v0  }
.Ltmp0:
0x37: {  	v5 =	vld [tilespmem:s24+$0x16920];
	[tilespmem:s22+$0x16940] =	vst v1;
	v4 =	vmul.f32 v4, v0;
	(pc) =	sbr.rel @p0 .LBB2_3-.Ltmp0, $4  }
0x38: {  	v3 =	vld [tilespmem:s24+$0x16930];
	[tilespmem:s22+$0x16950] =	vst v2;
	v10 =	vmul.f32 v7, v0  }
0x39: {  	v1 =	vld [tilespmem:s24+$0x16940];
	[tilespmem:s22+$0x16960] =	vst v4;
	v0 =	vmov v8  }
0x3a: {  	v7 =	vmul.f32 v6, v0;
	v2 =	vld [tilespmem:s24+$0x16950];
	[tilespmem:s22+$0x16970] =	vst v10;
	s22 =	smov.u32 s24  }
0x3b: {  	s23 =	sadd.s32 $0x200, s23;
	v6 =	vmul.f32 v9, v0;
	v4 =	vld [tilespmem:s22+$0x16960]  }
0x3c: {  	[tilespmem:s22+$0x16900] =	vst v7;
	v5 =	vmul.f32 v5, v0;
	v61 =	vld [tilespmem:s22+$0x16970]  }
0x3d: {  	[tilespmem:s22+$0x16910] =	vst v6;
	v3 =	vmul.f32 v3, v0  }
0x3e: {  	[tilespmem:s22+$0x16920] =	vst v5;
	v1 =	vmul.f32 v1, v0  }
0x3f: {  	[tilespmem:s22+$0x16930] =	vst v3;
	v2 =	vmul.f32 v2, v0  }
0x40: {  	[tilespmem:s22+$0x16940] =	vst v1;
	v62 =	vmul.f32 v4, v0  }
0x41: {  	s21 =	sadd.s32 $0x1, s21;
	[tilespmem:s22+$0x16950] =	vst v2;
	v63 =	vmul.f32 v61, v0  }
0x42: {  	p0 =	sne.s32 s21, $0x7D;
	[tilespmem:s22+$0x16960] =	vst v62  }
.Ltmp1:
0x43: {  	[tilespmem:s22+$0x16970] =	vst v63;
	(pc) =	sbr.rel @p0 .LBB2_2-.Ltmp1, $4  }
0x44: {  	[spmem:s3] =	stream.indirect.scatter.add.f32 [tilespmem:s19], [sflag:$0x2], $0x80, s16, s18, $0xb8;
	[tilespmem:$0x19100] =	vst v63  }
0x45: {  	_ =	swait.ge [sflag:s14], $0x2800  }
0x46: {  	[sflag:s14] =	ssyncset.done $0x0  }
0x47: {  	[sflag:s14] =	ssyncadd.s32 $0xFFFFD800  }
0x48: {  	s4 =	sadd.s32 $0x1, s4  }
0x49: {  	p0 =	sne.s32 s4, s12  }
.Ltmp2:
0x4a: {  	[bflag:$0x0] =	sbarrier.arrive $0xFFFF;
	(pc) =	sbr.rel @p0 .LBB2_1-.Ltmp2, $4  }
0x4b: {  	[hbm:s11], [sflag:s9] =	dma.local [spmem:s13], $0x2800  }
0x4c: {  	_ =	swait.ge [sflag:s14], $0x2800  }
0x4d: {  	[sflag:s14] =	ssyncset.done $0x0  }
0x4e: {  	[sflag:s14] =	ssyncadd.s32 $0xFFFFD800  }
0x4f: {  	_ =	sfence.sel $0x180000  }
0x50: {  	[bflag:$0x0] =	sbarrier.arrive $0xFFFF  }
0x51: {  	p0 =	sne.s32 s1, $0x0;
	_ =	strace $0x9000004A  }
0x52: {  	s0 =	sadd.s32 @!p0 $0x100000, s0;
	[bflag:$0x2] =	sbarrier.arrive $0xFFFF  }
0x53: {  	[sflag:s0] =	ssyncadd.tile.s32 @!p0 $0x1;
	_ =	shalt  }
.Lfunc_end2:
_tile_overlayer_lowered:
.L_overlay_start_2:
0x54: {  	(tag) =	ssettag $0x2  }
0x55: {  	s0 =	rddreg [dreg:$0x0];
	s2 =	stileid.u32  }
0x56: {  	s1 =	rddreg [dreg:$0x1];
	p0 =	sne.s32 s2, $0x0  }
0x57: {  	s3 =	rddreg [dreg:$0x2];
	[bflag:$0x3] =	sbarrier.arrive $0xFFFF;
	s2 =	simm.s32 @!p0 $0x1C02  }
0x58: {  	[timem:s3], [sflag:s2] =	dma.local @!p0 [hbm:s0], s1  }
0x59: {  	s0 =	simm.s32 @!p0 $0x2  }
0x5a: {  	_ =	swait.ge @!p0 [sflag:s0], s1  }
0x5b: {  	s1 =	ssub.s32 @!p0 $0x0, s1;
	[sflag:s0] =	ssyncset.done @!p0 $0x0  }
0x5c: {  	[sflag:s0] =	ssyncadd.s32 @!p0 s1  }
0x5d: {  	[bflag:$0x3] =	sbarrier.arrive $0xFFFF  }
0x5e: {  	_ =	shalt  }

// kernel: kernel.7.cloned.1.call-start
scs
__scs_entry_jumppad:
0x0: {  	(pc) =	sbr.rel $0x88, $3  }
0x1: {  	(tag) =	ssettag $0x0;
	lr =	simm.s32 $0x1  }
0x2: {  	[smem:$0x3F9C] =	sst lr;
	_ =	strace $0xD0000000  }
0x3: {  	_ = 	snop  }
0x4: {  	_ = 	snop  }
0x5: {  	_ = 	snop  }
0x6: {  	_ = 	snop  }
0x7: {  	_ = 	snop  }
__scs_overlays_trampoline_lowered:
0x8: {  	[smem:$0x3FAB] =	sst s0  }
0x9: {  	[smem:$0x3FAC] =	sst s1  }
0xa: {  	[smem:$0x3FAD] =	sst s2  }
0xb: {  	[smem:$0x3FAE] =	sst s3  }
0xc: {  	[smem:$0x3FAF] =	sst s4  }
0xd: {  	[smem:$0x3FB0] =	sst s5  }
0xe: {  	[smem:$0x3FB1] =	sst s6  }
0xf: {  	[smem:$0x3FB2] =	sst s7  }
0x10: {  	[smem:$0x3FB3] =	sst s8  }
0x11: {  	[smem:$0x3FB4] =	sst s9;
	s0 =	simm.s32 @!p0 $0x0  }
0x12: {  	s1 =	sld [smem:$0x3F9A];
	s0 =	simm.s32 @p0 $0x1  }
0x13: {  	[smem:$0x3FB5] =	sst s0;
	s0 =	simm.s32 @!p1 $0x0  }
0x14: {  	s2 =	sld [smem:$0x3F99];
	s0 =	simm.s32 @p1 $0x1  }
0x15: {  	[smem:$0x3FB6] =	sst s0;
	s0 =	simm.s32 @!p2 $0x0  }
0x16: {  	s3 =	sld [smem:$0x3FDB];
	s0 =	simm.s32 @p2 $0x1  }
0x17: {  	s4 =	simm.s32 $0x1BF5;
	[smem:$0x3FB8] =	sst s0  }
0x18: {  	s0 =	sld [smem:$0x3F9B];
	_ =	swait.ge [sflag:s4], $0x0  }
0x19: {  	s7 =	sld [smem:$0x3F9C]  }
0x1a: {  	s8 =	sadd.s32 $0xFFFFE003, lr  }
0x1b: {  	s9 =	sadd.s32 $0xFFFFFEF7, lr;
	s5 =	simm.s32 $0xFFFFFFFF;
	p2 =	slt.u32 s8, $0xFFFFF086  }
0x1c: {  	p1 =	slt.u32 s9, $0xF7A;
	s5 =	simm.s32 @!p2 $0x0  }
0x1d: {  	s5 =	simm.s32 @p1 $0x1;
	p0 =	seq.s32 s7, s2  }
0x1e: {  	s7 =	smul.u32 @!p0 $0xF7A, s2;
	p2 =	seq.s32 @!p0 s5, $0x0  }
0x1f: {  	s9 =	smul.u32 $0xF7A, s1;
	s8 =	simm.s32 @!p0 $0x1BF5;
	p2 =	por !p2, p0  }
0x20: {  	[sflag:s8] =	ssyncset.s32 @!p0 $0xFFFFF086;
	s6 =	sadd.s32 @!p0 s3, s7;
	s7 =	simm.s32 @!p0 $0x108  }
0x21: {  	s3 =	sadd.s32 s3, s9;
	s6 =	sadd.s32 @!p0 $0x88, s6;
	s7 =	simm.s32 @p2 $0x1082  }
0x22: {  	[simem:s7], [sflag:s8] =	dma.local @!p0 [hbm:s6], $0xF7A  }
0x23: {  	s9 =	sor.u32 $0xD0000000, s2;
	s6 =	simm.s32 $0x108;
	_ =	swait.ge @!p0 [sflag:s8], $0x0  }
0x24: {  	s3 =	sadd.s32 $0x88, s3;
	s6 =	simm.s32 @!p1 $0x1082;
	[sflag:s4] =	ssyncset.s32 $0xFFFFF086  }
0x25: {  	[simem:s6], [sflag:s4] =	dma.local [hbm:s3], $0xF7A  }
0x26: {  	[smem:$0x3F9C] =	sst s1;
	(tag) =	ssettag s2;
	_ =	strace s9  }
0x27: {  	s1 =	sld [smem:$0x3FAC]  }
0x28: {  	s2 =	sld [smem:$0x3FAD]  }
0x29: {  	s4 =	sld [smem:$0x3FAF]  }
0x2a: {  	p0 =	seq.s32 s5, $0x0;
	s5 =	sld [smem:$0x3FB0]  }
0x2b: {  	s6 =	sld [smem:$0x3FB1]  }
0x2c: {  	s7 =	sld [smem:$0x3FB2]  }
0x2d: {  	s3 =	simm.s32 $0x108;
	s8 =	sld [smem:$0x3FB3]  }
0x2e: {  	s3 =	simm.s32 @!p0 $0x1082;
	s9 =	sld [smem:$0x3FB4]  }
0x2f: {  	lr =	sadd.s32 s0, s3;
	s0 =	sld [smem:$0x3FAB]  }
0x30: {  	s3 =	sld [smem:$0x3FAE]  }
0x31: {  	[smem:$0x3FB7] =	sst s10  }
0x32: {  	s10 =	sld [smem:$0x3FB5];
	_ =	sdelay $0x3  }
0x33: {  	p0 =	seq.s32 s10, $0x1;
	s10 =	sld [smem:$0x3FB7];
	_ =	sdelay $0x3  }
0x34: {  	[smem:$0x3FB7] =	sst s10  }
0x35: {  	s10 =	sld [smem:$0x3FB6];
	_ =	sdelay $0x3  }
0x36: {  	p1 =	seq.s32 s10, $0x1;
	s10 =	sld [smem:$0x3FB7];
	_ =	sdelay $0x3  }
0x37: {  	[smem:$0x3FB7] =	sst s10  }
0x38: {  	s10 =	sld [smem:$0x3FB8]  }
0x39: {  	_ = 	snop;
	(pc) =	sbr.ind lr, $3  }
0x3a: {  	_ = 	snop  }
0x3b: {  	_ = 	snop  }
0x3c: {  	p2 =	seq.s32 s10, $0x1;
	s10 =	sld [smem:$0x3FB7]  }
0x3d: {  	_ =	shalt  }
0x3e: {  	_ =	shalt  }
0x3f: {  	_ =	shalt  }
0x40: {  	_ =	shalt  }
0x41: {  	_ =	shalt  }
0x42: {  	_ =	shalt  }
0x43: {  	_ =	shalt  }
0x44: {  	_ =	shalt  }
0x45: {  	_ =	shalt  }
0x46: {  	_ =	shalt  }
0x47: {  	_ =	shalt  }
0x48: {  	_ =	shalt  }
0x49: {  	_ =	shalt  }
0x4a: {  	_ =	shalt  }
0x4b: {  	_ =	shalt  }
0x4c: {  	_ =	shalt  }
0x4d: {  	_ =	shalt  }
0x4e: {  	_ =	shalt  }
0x4f: {  	_ =	shalt  }
0x50: {  	_ =	shalt  }
0x51: {  	_ =	shalt  }
0x52: {  	_ =	shalt  }
0x53: {  	_ =	shalt  }
0x54: {  	_ =	shalt  }
0x55: {  	_ =	shalt  }
0x56: {  	_ =	shalt  }
0x57: {  	_ =	shalt  }
0x58: {  	_ =	shalt  }
0x59: {  	_ =	shalt  }
0x5a: {  	_ =	shalt  }
0x5b: {  	_ =	shalt  }
0x5c: {  	_ =	shalt  }
0x5d: {  	_ =	shalt  }
0x5e: {  	_ =	shalt  }
0x5f: {  	_ =	shalt  }
0x60: {  	_ =	shalt  }
0x61: {  	_ =	shalt  }
0x62: {  	_ =	shalt  }
0x63: {  	_ =	shalt  }
0x64: {  	_ =	shalt  }
0x65: {  	_ =	shalt  }
0x66: {  	_ =	shalt  }
0x67: {  	_ =	shalt  }
0x68: {  	_ =	shalt  }
0x69: {  	_ =	shalt  }
0x6a: {  	_ =	shalt  }
0x6b: {  	_ =	shalt  }
0x6c: {  	_ =	shalt  }
0x6d: {  	_ =	shalt  }
0x6e: {  	_ =	shalt  }
0x6f: {  	_ =	shalt  }
0x70: {  	_ =	shalt  }
0x71: {  	_ =	shalt  }
0x72: {  	_ =	shalt  }
0x73: {  	_ =	shalt  }
0x74: {  	_ =	shalt  }
0x75: {  	_ =	shalt  }
0x76: {  	_ =	shalt  }
0x77: {  	_ =	shalt  }
0x78: {  	_ =	shalt  }
0x79: {  	_ =	shalt  }
0x7a: {  	_ =	shalt  }
0x7b: {  	_ =	shalt  }
0x7c: {  	_ =	shalt  }
0x7d: {  	_ =	shalt  }
0x7e: {  	_ =	shalt  }
0x7f: {  	_ =	shalt  }
0x80: {  	_ =	shalt  }
0x81: {  	_ =	shalt  }
0x82: {  	_ =	shalt  }
0x83: {  	_ =	shalt  }
0x84: {  	_ =	shalt  }
0x85: {  	_ =	shalt  }
0x86: {  	_ =	shalt  }
0x87: {  	_ =	shalt  }
.Lfunc_end0:
.L_simem_size_0:
called_computation_lowered:
.L_overlay_start_0:
0x88: {  	s2 =	sld [smem:$0x3FD9]  }
0x89: {  	s3 =	sld [smem:$0x3FFE];
	_ =	sdelay $0x1  }
0x8a: {  	s1 =	srdreg.scid  }
0x8b: {  	s0 =	sand.u32 $0x1, s1  }
0x8c: {  	s17 =	sshll.u32 s0, $0xA;
	s2 =	sadd.s32 s3, s2  }
0x8d: {  	s2 =	sadd.s32 s2, s17  }
0x8e: {  	[smem:$0x3FC3] =	sst s2  }
0x8f: {  	_ = 	snop  }
0x90: {  	s2 =	sld [smem:$0x3FD0];
	(tm) =	ssettm $0x1  }
0x91: {  	s18 =	sld [smem:$0x3FFB];
	_ =	sdelay $0x3  }
0x92: {  	_ =	strace s18  }
0x93: {  	s3 =	sld [smem:$0x3FFC];
	_ =	sdelay $0x3  }
0x94: {  	_ =	strace s3  }
0x95: {  	s3 =	sld [smem:$0x3FFD];
	_ =	sdelay $0x3  }
0x96: {  	_ =	strace s3  }
0x97: {  	_ =	strace $0x8FFFFFFF  }
0x98: {  	s19 =	sld [smem:$0x3FDB];
	_ =	sdelay $0x1  }
0x99: {  	s4 =	simm.s32 $_scs_section_size  }
0x9a: {  	s5 =	simm.s32 $_size__tile_overlayer_lowered;
	s6 =	simm.s32 $_tile_overlayer_lowered  }
0x9b: {  	s22 =	simm.s32 $0x1BFF;
	s21 =	sshll.u32 s6, $0x1;
	s3 =	sadd.s32 s4, s19  }
0x9c: {  	s7 =	simm.s32 $0x0;
	s20 =	sshll.u32 s5, $0x1;
	s5 =	sadd.s32 s21, s3  }
0x9d: {  	[timem:s7], [sflag:s22] =	dma.local [hbm:s5], s20  }
0x9e: {  	_ =	swait.ge [sflag:s22], s20  }
0x9f: {  	s4 =	ssub.s32 $0x0, s20;
	[sflag:s22] =	ssyncset.done $0x0  }
0xa0: {  	[sflag:s22] =	ssyncadd.s32 s4;
	_ =	sdelay $0x1  }
0xa1: {  	s23 =	simm.s32 $0x1B8B  }
0xa2: {  	_ =	swait.ge [sflag:s23], $0x1  }
0xa3: {  	[sflag:s23] =	ssyncset.done $0x0  }
0xa4: {  	s25 =	simm.s32 $0x1B8E;
	s24 =	sld [smem:$0x3FFE];
	[sflag:s23] =	ssyncadd.s32 $0xFFFFFFFF  }
0xa5: {  	s26 =	simm.s32 $execute0_lowered;
	[smem:$0x3FD2] =	sst s25  }
0xa6: {  	s5 =	sshll.u32 s26, $0x1;
	_ =	strace $0x80000046;
	[dreg:$0x1] =	wrdreg $0xFFFFFFFF  }
0xa7: {  	s28 =	simm.s32 $_size_execute0_lowered;
	s3 =	sadd.s32 s3, s5;
	[dreg:$0x0] =	wrdreg $0x0  }
0xa8: {  	s5 =	sshll.u32 s28, $0x1;
	[dreg:$0x2] =	wrdreg s3  }
0xa9: {  	[dreg:$0x3] =	wrdreg s5  }
0xaa: {  	[dreg:$0x4] =	wrdreg $0xC0  }
0xab: {  	_ =	task [dreg:s7], $0x5FFFF  }
0xac: {  	[dreg:$0x1] =	wrdreg $0xFFFFFFFF  }
0xad: {  	[dreg:$0x0] =	wrdreg $0x60  }
0xae: {  	[dreg:$0x2] =	wrdreg s24  }
0xaf: {  	[dreg:$0x3] =	wrdreg s2  }
0xb0: {  	[dreg:$0x4] =	wrdreg $0x0  }
0xb1: {  	[dreg:$0x5] =	wrdreg $0x9  }
0xb2: {  	_ =	task.clear_ibuf [dreg:s7], $0x6FFFF;
	_ =	strace $0x90000046  }
0xb3: {  	s29 =	simm.s32 $0x9;
	_ =	strace $0x80000048  }
0xb4: {  	_ =	swait.ge [sflag:s29], $0x1  }
0xb5: {  	[sflag:s29] =	ssyncadd.s32 $0xFFFFFFFF  }
0xb6: {  	_ =	strace $0x90000048  }
0xb7: {  	_ =	sfence  }
0xb8: {  	s30 =	sld [smem:$0x0];
	_ =	sdelay $0x2  }
0xb9: {  	s31 =	sshll.u32 s1, $0xD;
	s1 =	sshrl.u32 s1, $0x2  }
0xba: {  	s3 =	sand.u32 $0x4000, s31;
	s1 =	sadd.s32 s1, s30  }
0xbb: {  	s0 =	sor.u32 s3, s0;
	s1 =	sshll.u32 s1, $0x11  }
0xbc: {  	s0 =	sor.u32 s1, s0  }
0xbd: {  	s0 =	sadd.s32 $0x8F2B, s0  }
0xbe: {  	[sflag:s0] =	ssyncadd.remote.s32 $0x1  }
0xbf: {  	_ =	sfence.sel $0xFFFF  }
0xc0: {  	[dreg:$0x0] =	wrdreg $0xFFFFFFFF;
	(pc) =	sbr.abs _section_cstart, $3  }
0xc1: {  	[dreg:$0x1] =	wrdreg $0xFFFFFFFF  }
0xc2: {  	_ =	task.clear_ibuf [dreg:s7], $0x2FFFF;
	_ =	strace $0x9FFFFFFF  }
0xc3: {  	(tm) =	ssettm $0x7FFFFFFF  }
tec
execute0_lowered:
.L_overlay_start_1:
0x0: {  	(tag) =	ssettag $0x1  }
0x1: {  	s8 =	rddreg [dreg:$0x0]  }
0x2: {  	s2 =	rddreg [dreg:$0x1]  }
0x3: {  	s3 =	rddreg [dreg:$0x2]  }
0x4: {  	s0 =	rddreg [dreg:$0x3]  }
0x5: {  	s4 =	simm.s32 $0x0;
	s1 =	stileid.u32;
	s5 =	srdreg.scid  }
0x6: {  	s16 =	simm.s32 $0x14080;
	s17 =	simm.s32 $0x14100;
	s18 =	simm.s32 $0x50  }
0x7: {  	s19 =	simm.s32 $0x16900;
	s20 =	simm.s32 $0x1;
	s25 =	simm.s32 $0x0  }
0x8: {  	[smem:$0x7FF] =	sst s4;
	s9 =	smul.u32 $0x14000, s1;
	s10 =	sand.u32 $0x1, s5  }
0x9: {  	s5 =	sadd.s32 $0xAE00, s8;
	s6 =	sadd.s32 $0x1000, s8;
	s13 =	smul.u32 $0x50000, s1  }
0xa: {  	s7 =	sadd.s32 $0x32E00, s8;
	s30 =	smul.u32 $0x2710, s1;
	s31 =	sshll.u32 s1, $0x6  }
0xb: {  	_ =	strace $0x80000047;
	s11 =	smul.u32 $0x140000, s10;
	s26 =	ssub.s32 $0x2, s10  }
0xc: {  	s10 =	smul.u32 $0x27100, s10;
	s12 =	sshrl.u32 s9, $0x3;
	s28 =	sshrl.u32 s26, $0x1  }
0xd: {  	s29 =	sshrl.u32 s13, $0x2;
	s12 =	sadd.s32 s12, s8;
	s9 =	sadd.s32 s9, s11  }
0xe: {  	s15 =	ssub.s32 s26, s28;
	s13 =	sadd.s32 s29, s3;
	s9 =	sshrl.u32 s9, $0x3  }
0xf: {  	s10 =	sadd.s32 s30, s10;
	s13 =	sshrl.u32 s13, $0x3;
	s14 =	sadd.s32 s9, s8  }
0x10: {  	s8 =	sadd.s32 $0x514E00, s12;
	s9 =	sor.u32 $0x1C02, s31;
	s12 =	smax.u32 s15, $0x1  }
0x11: {  	s15 =	simm.s32 $0x14000;
	s11 =	sadd.s32 $0x53CE00, s14;
	s14 =	simm.s32 $0x2  }
.LBB2_1:
0x12: {  	[spmem:s13], [sflag:s9] =	dma.local [hbm:s8], $0x2800  }
0x13: {  	_ =	swait.ge [sflag:s14], $0x2800  }
0x14: {  	[sflag:s14] =	ssyncset.done $0x0  }
0x15: {  	[sflag:s14] =	ssyncadd.s32 $0xFFFFD800  }
0x16: {  	s21 =	simm.s32 $0x0;
	[bflag:$0x0] =	sbarrier.arrive $0xFFFF  }
.LBB2_2:
0x17: {  	s22 =	smul.u32 $0x50, s21;
	_ =	sdelay $0x1  }
0x18: {  	s22 =	sadd.s32 s22, s10  }
0x19: {  	s23 =	sshrl.u32 s22, $0x3  }
0x1a: {  	s24 =	sadd.s32 s6, s23  }
0x1b: {  	[tilespmem:s15], [sflag:$0x2] =	stream.linear.gather [hbm4b:s24+s25], $0x50, $0x38;
	[tilespmem:$0x19100] =	vst v63  }
0x1c: {  	_ =	swait.ge [sflag:s14], $0x50  }
0x1d: {  	[sflag:s14] =	ssyncset.done $0x0  }
0x1e: {  	s23 =	sadd.s32 s2, s23;
	[sflag:s14] =	ssyncadd.s32 $0xFFFFFFB0  }
0x1f: {  	[tilespmem:s16], [sflag:$0x2] =	stream.linear.gather [hbm4b:s23+s25], $0x50, $0x38;
	[tilespmem:$0x19100] =	vst v63  }
0x20: {  	_ =	swait.ge [sflag:s14], $0x50  }
0x21: {  	s22 =	sshll.u32 s22, $0x4;
	[sflag:s14] =	ssyncset.done $0x0  }
0x22: {  	s22 =	sadd.s32 s7, s22;
	[sflag:s14] =	ssyncadd.s32 $0xFFFFFFB0  }
0x23: {  	[tilespmem:s17], [sflag:$0x2] =	stream.linear.gather [hbm4b:s22+s25], $0x2800, $0x38;
	[tilespmem:$0x19100] =	vst v63  }
0x24: {  	_ =	swait.ge [sflag:s14], $0x2800  }
0x25: {  	[sflag:s14] =	ssyncset.done $0x0  }
0x26: {  	[sflag:s14] =	ssyncadd.s32 $0xFFFFD800  }
0x27: {  	[tilespmem:s19], [sflag:$0x1] =	stream.indirect.gather [hbm4b:s5+s18], $0x80, s15, s18, $0xb8;
	[tilespmem:$0x19100] =	vst v63  }
0x28: {  	_ =	swait.ge [sflag:s20], $0x2800  }
0x29: {  	[sflag:s20] =	ssyncset.done $0x0  }
0x2a: {  	s22 =	simm.s32 $0x0;
	[sflag:s20] =	ssyncadd.s32 $0xFFFFD800  }
0x2b: {  	v0 =	vld [tilespmem:s22+$0x14100]  }
0x2c: {  	v4 =	vld [tilespmem:s22+$0x16900]  }
0x2d: {  	v6 =	vld [tilespmem:s22+$0x16910]  }
0x2e: {  	v5 =	vld [tilespmem:s22+$0x16920]  }
0x2f: {  	v3 =	vld [tilespmem:s22+$0x16930]  }
0x30: {  	v1 =	vld [tilespmem:s22+$0x16940]  }
0x31: {  	v2 =	vld [tilespmem:s22+$0x16950];
	v7 =	vmul.f32 v4, v0  }
0x32: {  	s23 =	simm.s32 $0x200;
	v6 =	vmul.f32 v6, v0;
	v4 =	vld [tilespmem:s22+$0x16960]  }
.LBB2_3:
0x33: {  	s24 =	sshra.s32 s23, $0x2;
	p0 =	sne.s32 s23, $0x9E00;
	[tilespmem:s22+$0x16900] =	vst v7;
	v5 =	vmul.f32 v5, v0;
	v7 =	vld [tilespmem:s22+$0x16970]  }
0x34: {  	v8 =	vld [tilespmem:s24+$0x14100];
	[tilespmem:s22+$0x16910] =	vst v6;
	v3 =	vmul.f32 v3, v0  }
0x35: {  	v6 =	vld [tilespmem:s24+$0x16900];
	[tilespmem:s22+$0x16920] =	vst v5;
	v1 =	vmul.f32 v1, v0  }
0x36: {  	v9 =	vld [tilespmem:s24+$0x16910];
	[tilespmem:s22+$0x16930] =	vst v3;
	v2 =	vmul.f32 v2, v0  }
.Ltmp0:
0x37: {  	v5 =	vld [tilespmem:s24+$0x16920];
	[tilespmem:s22+$0x16940] =	vst v1;
	v4 =	vmul.f32 v4, v0;
	(pc) =	sbr.rel @p0 .LBB2_3-.Ltmp0, $4  }
0x38: {  	v3 =	vld [tilespmem:s24+$0x16930];
	[tilespmem:s22+$0x16950] =	vst v2;
	v10 =	vmul.f32 v7, v0  }
0x39: {  	v1 =	vld [tilespmem:s24+$0x16940];
	[tilespmem:s22+$0x16960] =	vst v4;
	v0 =	vmov v8  }
0x3a: {  	v7 =	vmul.f32 v6, v0;
	v2 =	vld [tilespmem:s24+$0x16950];
	[tilespmem:s22+$0x16970] =	vst v10;
	s22 =	smov.u32 s24  }
0x3b: {  	s23 =	sadd.s32 $0x200, s23;
	v6 =	vmul.f32 v9, v0;
	v4 =	vld [tilespmem:s22+$0x16960]  }
0x3c: {  	[tilespmem:s22+$0x16900] =	vst v7;
	v5 =	vmul.f32 v5, v0;
	v61 =	vld [tilespmem:s22+$0x16970]  }
0x3d: {  	[tilespmem:s22+$0x16910] =	vst v6;
	v3 =	vmul.f32 v3, v0  }
0x3e: {  	[tilespmem:s22+$0x16920] =	vst v5;
	v1 =	vmul.f32 v1, v0  }
0x3f: {  	[tilespmem:s22+$0x16930] =	vst v3;
	v2 =	vmul.f32 v2, v0  }
0x40: {  	[tilespmem:s22+$0x16940] =	vst v1;
	v62 =	vmul.f32 v4, v0  }
0x41: {  	s21 =	sadd.s32 $0x1, s21;
	[tilespmem:s22+$0x16950] =	vst v2;
	v63 =	vmul.f32 v61, v0  }
0x42: {  	p0 =	sne.s32 s21, $0x7D;
	[tilespmem:s22+$0x16960] =	vst v62  }
.Ltmp1:
0x43: {  	[tilespmem:s22+$0x16970] =	vst v63;
	(pc) =	sbr.rel @p0 .LBB2_2-.Ltmp1, $4  }
0x44: {  	[spmem:s3] =	stream.indirect.scatter.add.f32 [tilespmem:s19], [sflag:$0x2], $0x80, s16, s18, $0xb8;
	[tilespmem:$0x19100] =	vst v63  }
0x45: {  	_ =	swait.ge [sflag:s14], $0x2800  }
0x46: {  	[sflag:s14] =	ssyncset.done $0x0  }
0x47: {  	[sflag:s14] =	ssyncadd.s32 $0xFFFFD800  }
0x48: {  	s4 =	sadd.s32 $0x1, s4  }
0x49: {  	p0 =	sne.s32 s4, s12  }
.Ltmp2:
0x4a: {  	[bflag:$0x0] =	sbarrier.arrive $0xFFFF;
	(pc) =	sbr.rel @p0 .LBB2_1-.Ltmp2, $4  }
0x4b: {  	[hbm:s11], [sflag:s9] =	dma.local [spmem:s13], $0x2800  }
0x4c: {  	_ =	swait.ge [sflag:s14], $0x2800  }
0x4d: {  	[sflag:s14] =	ssyncset.done $0x0  }
0x4e: {  	[sflag:s14] =	ssyncadd.s32 $0xFFFFD800  }
0x4f: {  	_ =	sfence.sel $0x180000  }
0x50: {  	[bflag:$0x0] =	sbarrier.arrive $0xFFFF  }
0x51: {  	p0 =	sne.s32 s1, $0x0;
	_ =	strace $0x90000047  }
0x52: {  	s0 =	sadd.s32 @!p0 $0x100000, s0;
	[bflag:$0x2] =	sbarrier.arrive $0xFFFF  }
0x53: {  	[sflag:s0] =	ssyncadd.tile.s32 @!p0 $0x1;
	_ =	shalt  }
.Lfunc_end2:
_tile_overlayer_lowered:
.L_overlay_start_2:
0x54: {  	(tag) =	ssettag $0x2  }
0x55: {  	s0 =	rddreg [dreg:$0x0];
	s2 =	stileid.u32  }
0x56: {  	s1 =	rddreg [dreg:$0x1];
	p0 =	sne.s32 s2, $0x0  }
0x57: {  	s3 =	rddreg [dreg:$0x2];
	[bflag:$0x3] =	sbarrier.arrive $0xFFFF;
	s2 =	simm.s32 @!p0 $0x1C02  }
0x58: {  	[timem:s3], [sflag:s2] =	dma.local @!p0 [hbm:s0], s1  }
0x59: {  	s0 =	simm.s32 @!p0 $0x2  }
0x5a: {  	_ =	swait.ge @!p0 [sflag:s0], s1  }
0x5b: {  	s1 =	ssub.s32 @!p0 $0x0, s1;
	[sflag:s0] =	ssyncset.done @!p0 $0x0  }
0x5c: {  	[sflag:s0] =	ssyncadd.s32 @!p0 s1  }
0x5d: {  	[bflag:$0x3] =	sbarrier.arrive $0xFFFF  }
0x5e: {  	_ =	shalt  }

</sc_bundles>
